<compile_context>
chip_gen: v7x
topology: tpu7x:2x2x1
jax: 0.10.2.dev20260603
libtpu: 0.0.44.dev20260713+nightly
codegen_flags: <defaults>
</compile_context>

<pallas_src>
import jax
import jax.numpy as jnp
from jax import lax
from jax.experimental import pallas as pl
from jax.experimental.pallas import tpu as pltpu
from jax.experimental.pallas import tpu_sc as plsc

EMB = 64
_NC = 2
_NS = 16
NW = _NC * _NS
G = 128
R = 2


def _emb_body(x_hbm, sum_hbm, out_hbm, idx_v, gbufs, obufs, sems_g, sems_o):
    ng = x_hbm.shape[0] // NW
    wid = lax.axis_index("s") * _NC + lax.axis_index("c")
    pltpu.sync_copy(x_hbm.at[pl.ds(wid * ng, ng)], idx_v)
    base = wid * ng * G

    def fire(g, k):
        pltpu.async_copy(sum_hbm.at[idx_v.at[g]], gbufs[k], sems_g[k])

    def wait_gather(k):
        pltpu.make_async_copy(sum_hbm.at[idx_v.at[0]], gbufs[k], sems_g[k]).wait()

    def drain_out(k):
        pltpu.make_async_copy(obufs[k], out_hbm.at[pl.ds(base, G)], sems_o[k]).wait()

    for k in range(R):
        fire(k, k)

    @pl.loop(0, ng, step=R)
    def _pair(g):
        for k in range(R):
            gi = g + k
            wait_gather(k)

            @pl.when(gi >= R)
            def _():
                drain_out(k)

            @pl.loop(0, G, unroll=4)
            def _row(j):
                for c in range(EMB // 16):
                    s = pl.ds(c * 16, 16)
                    obufs[k][j, s] = gbufs[k][j, s]

            @pl.when(gi + R < ng)
            def _():
                fire(gi + R, k)

            pltpu.async_copy(obufs[k], out_hbm.at[pl.ds(base + gi * G, G)], sems_o[k])

    for k in range(R):
        drain_out(k)


def kernel(x, word_table, pe_table):
    b, s = x.shape
    n = b * s
    xg = x.reshape(n // G, G)
    sum128 = jnp.pad(word_table + pe_table, ((0, 0), (0, EMB)))
    mesh = plsc.VectorSubcoreMesh(core_axis_name="c", subcore_axis_name="s")
    out = pl.kernel(
        _emb_body,
        out_type=jax.ShapeDtypeStruct((n, EMB), jnp.float32),
        mesh=mesh,
        scratch_types=[
            pltpu.VMEM((n // G // NW, G), jnp.int32),
            [pltpu.VMEM((G, 2 * EMB), jnp.float32) for _ in range(R)],
            [pltpu.VMEM((G, EMB), jnp.float32) for _ in range(R)],
            [pltpu.SemaphoreType.DMA for _ in range(R)],
            [pltpu.SemaphoreType.DMA for _ in range(R)],
        ],
    )(xg, sum128)
    return out.reshape(b, s, EMB)

# --- scband reference (transcript-rebuilt; emitter-appended) ---
"""Pipeline reference for scband-embedding-33406255628755 (READ-ONLY COPY).

The authoritative reference and input builder live on the scoring server;
editing this copy changes nothing except your own understanding.
"""

import jax, jax.numpy as jnp
import numpy as np

VOCAB = 1000000
EMB = 64

def setup_inputs(seed: int = 0) -> dict:
    key = jax.random.key(seed)
    k1, k2, k3 = jax.random.split(key, 3)
    x = jax.random.randint(k1, (4096, 200), 0, VOCAB, dtype=jnp.int64 if jax.config.jax_enable_x64 else jnp.int32)
    word_table = jax.random.normal(k2, (VOCAB, EMB), dtype=jnp.float32)
    pe_table = jax.random.normal(k3, (VOCAB, EMB), dtype=jnp.float32)
    return {"x": x, "word_table": word_table, "pe_table": pe_table}

def reference(x, word_table, pe_table):
    # word embedding lookup + positional-encoding-table lookup (both indexed by token id)
    word_emb = jnp.take(word_table, x, axis=0)
    word_pe = jnp.take(pe_table, x, axis=0)
    return word_emb + word_pe

if __name__ == "__main__":
    import jax
    _d = setup_inputs()
    print(jax.jit(kernel)(*tuple(_d.values())))

</pallas_src>

<mosaic_0001>
#map = affine_map<(d0, d1) -> (0, 0)>
module attributes {stable_mosaic.version = 14 : i64} {
  func.func @_emb_body(%arg0: i32, %arg1: i32, %arg2: memref<6400x128xi32, #tpu.memory_space<hbm>>, %arg3: memref<1000000x128xf32, #tpu.memory_space<hbm>>, %arg4: memref<819200x64xf32, #tpu.memory_space<hbm>>, %arg5: memref<200x128xi32, #tpu.memory_space<vmem>>, %arg6: memref<128x128xf32, #tpu.memory_space<vmem>>, %arg7: memref<128x128xf32, #tpu.memory_space<vmem>>, %arg8: memref<128x64xf32, #tpu.memory_space<vmem>>, %arg9: memref<128x64xf32, #tpu.memory_space<vmem>>, %arg10: memref<!tpu.dma_semaphore, #tpu.memory_space<semaphore_mem>>, %arg11: memref<!tpu.dma_semaphore, #tpu.memory_space<semaphore_mem>>, %arg12: memref<!tpu.dma_semaphore, #tpu.memory_space<semaphore_mem>>, %arg13: memref<!tpu.dma_semaphore, #tpu.memory_space<semaphore_mem>>) attributes {dimension_semantics = [#tpu.dimension_semantics<core_parallel>, #tpu.dimension_semantics<subcore_parallel>], iteration_bounds = array<i64: 2, 16>, scalar_prefetch = 0 : i64, scratch_operands = 9 : i64, tpu.core_type = #tpu.core_type<sc_vector_subcore>, window_params = [{transform_indices = #map}, {transform_indices = #map}, {transform_indices = #map}]} {
    %mul3A = arith.constant 2 : i32
    %mul3A_0 = arith.muli %arg1, %mul3A : i32
    %add3A = arith.addi %mul3A_0, %arg0 : i32
    %mul3A_1 = arith.constant 200 : i32
    %mul3A_2 = arith.muli %add3A, %mul3A_1 : i32
    "tpu.region"() ({
      %run_scoped3A = tpu.sem_alloc : memref<!tpu.dma_semaphore, #tpu.memory_space<semaphore_mem>>
      %dma_start3A_31 = arith.constant 0 : i32
      %dma_start3A_32 = tpu.memref_slice %arg2[%mul3A_2, %dma_start3A_31] : memref<6400x128xi32, #tpu.memory_space<hbm>> -> memref<200x128xi32, #tpu.memory_space<hbm>>
      %dma_start3A_33 = arith.constant 0 : i32
      %dma_start3A_34 = tpu.memref_slice %arg2[%mul3A_2, %dma_start3A_33] : memref<6400x128xi32, #tpu.memory_space<hbm>> -> memref<200x128xi32, #tpu.memory_space<hbm>>
      tpu.enqueue_dma source(%dma_start3A_34 : memref<200x128xi32, #tpu.memory_space<hbm>>) target(%arg5 : memref<200x128xi32, #tpu.memory_space<vmem>>) target_semaphore(%run_scoped3A : memref<!tpu.dma_semaphore, #tpu.memory_space<semaphore_mem>>)
      %dma_wait3A_35 = arith.constant 0 : i32
      %dma_wait3A_36 = tpu.memref_slice %arg2[%mul3A_2, %dma_wait3A_35] : memref<6400x128xi32, #tpu.memory_space<hbm>> -> memref<200x128xi32, #tpu.memory_space<hbm>>
      %dma_wait3A_37 = arith.constant 0 : i32
      %dma_wait3A_38 = tpu.memref_slice %arg2[%mul3A_2, %dma_wait3A_37] : memref<6400x128xi32, #tpu.memory_space<hbm>> -> memref<200x128xi32, #tpu.memory_space<hbm>>
      tpu.wait_dma2 semaphore(%run_scoped3A : memref<!tpu.dma_semaphore, #tpu.memory_space<semaphore_mem>>) src(%dma_wait3A_38 : memref<200x128xi32, #tpu.memory_space<hbm>>) dst(%arg5 : memref<200x128xi32, #tpu.memory_space<vmem>>)
      tpu.yield
    }) : () -> ()
    %mul3A_3 = arith.constant 200 : i32
    %mul3A_4 = arith.muli %add3A, %mul3A_3 : i32
    %mul3A_5 = arith.constant 128 : i32
    %mul3A_6 = arith.muli %mul3A_4, %mul3A_5 : i32
    %dma_start3A = arith.constant 0 : i32
    %dma_start3A_7 = arith.constant 0 : i32
    %dma_start3A_8 = tpu.memref_slice %arg5[%dma_start3A, %dma_start3A_7] : memref<200x128xi32, #tpu.memory_space<vmem>> -> memref<1x128xi32, #tpu.memory_space<vmem>>
    %dma_start3A_9 = tpu.memref_squeeze %dma_start3A_8 : memref<1x128xi32, #tpu.memory_space<vmem>> -> memref<128xi32, #tpu.memory_space<vmem>>
    %dma_start3A_10 = arith.constant 0 : i32
    %dma_start3A_11 = arith.constant 0 : i32
    %dma_start3A_12 = tpu.memref_slice %arg3[%dma_start3A_10, %dma_start3A_11] : memref<1000000x128xf32, #tpu.memory_space<hbm>> -> memref<1000000x128xf32, #tpu.memory_space<hbm>>
    tpu.enqueue_indirect_dma source(%dma_start3A_12 : memref<1000000x128xf32, #tpu.memory_space<hbm>>) target(%arg6 : memref<128x128xf32, #tpu.memory_space<vmem>>) offsets(%dma_start3A_9 : memref<128xi32, #tpu.memory_space<vmem>>) semaphore(%arg10 : memref<!tpu.dma_semaphore, #tpu.memory_space<semaphore_mem>>)
    %dma_start3A_13 = arith.constant 1 : i32
    %dma_start3A_14 = arith.constant 0 : i32
    %dma_start3A_15 = tpu.memref_slice %arg5[%dma_start3A_13, %dma_start3A_14] : memref<200x128xi32, #tpu.memory_space<vmem>> -> memref<1x128xi32, #tpu.memory_space<vmem>>
    %dma_start3A_16 = tpu.memref_squeeze %dma_start3A_15 : memref<1x128xi32, #tpu.memory_space<vmem>> -> memref<128xi32, #tpu.memory_space<vmem>>
    %dma_start3A_17 = arith.constant 0 : i32
    %dma_start3A_18 = arith.constant 0 : i32
    %dma_start3A_19 = tpu.memref_slice %arg3[%dma_start3A_17, %dma_start3A_18] : memref<1000000x128xf32, #tpu.memory_space<hbm>> -> memref<1000000x128xf32, #tpu.memory_space<hbm>>
    tpu.enqueue_indirect_dma source(%dma_start3A_19 : memref<1000000x128xf32, #tpu.memory_space<hbm>>) target(%arg7 : memref<128x128xf32, #tpu.memory_space<vmem>>) offsets(%dma_start3A_16 : memref<128xi32, #tpu.memory_space<vmem>>) semaphore(%arg11 : memref<!tpu.dma_semaphore, #tpu.memory_space<semaphore_mem>>)
    %scan3A = arith.constant 0 : i32
    %scan3A_20 = arith.constant 100 : i32
    %scan3A_21 = arith.addi %scan3A, %scan3A_20 : i32
    %scan3A_22 = arith.constant 1 : i32
    scf.for %scan3A_31 = %scan3A to %scan3A_21 step %scan3A_22  : i32 {
      %mul3A_32 = arith.constant 2 : i32
      %mul3A_33 = arith.muli %scan3A_31, %mul3A_32 : i32
      %add3A_34 = arith.constant 0 : i32
      %add3A_35 = arith.addi %add3A_34, %mul3A_33 : i32
      %add3A_36 = arith.constant 0 : i32
      %add3A_37 = arith.addi %add3A_35, %add3A_36 : i32
      %dma_wait3A_38 = arith.constant 0 : i32
      %dma_wait3A_39 = arith.constant 0 : i32
      %dma_wait3A_40 = tpu.memref_slice %arg5[%dma_wait3A_38, %dma_wait3A_39] : memref<200x128xi32, #tpu.memory_space<vmem>> -> memref<1x128xi32, #tpu.memory_space<vmem>>
      %dma_wait3A_41 = tpu.memref_squeeze %dma_wait3A_40 : memref<1x128xi32, #tpu.memory_space<vmem>> -> memref<128xi32, #tpu.memory_space<vmem>>
      %dma_wait3A_42 = arith.constant 0 : i32
      %dma_wait3A_43 = arith.constant 0 : i32
      %dma_wait3A_44 = tpu.memref_slice %arg3[%dma_wait3A_42, %dma_wait3A_43] : memref<1000000x128xf32, #tpu.memory_space<hbm>> -> memref<1000000x128xf32, #tpu.memory_space<hbm>>
      tpu.wait_indirect_dma semaphore(%arg10 : memref<!tpu.dma_semaphore, #tpu.memory_space<semaphore_mem>>) src(%dma_wait3A_44 : memref<1000000x128xf32, #tpu.memory_space<hbm>>) dst(%arg6 : memref<128x128xf32, #tpu.memory_space<vmem>>)
      %ge3A = arith.constant 2 : i32
      %ge3A_45 = arith.cmpi sge, %add3A_37, %ge3A : i32
      %convert_element_type3A = arith.extui %ge3A_45 : i1 to i32
      %cond3A = arith.constant 0 : i32
      %cond3A_46 = arith.cmpi ne, %convert_element_type3A, %cond3A : i32
      scf.if %cond3A_46 {
        %dma_wait3A_98 = arith.constant 0 : i32
        %dma_wait3A_99 = tpu.memref_slice %arg4[%mul3A_6, %dma_wait3A_98] : memref<819200x64xf32, #tpu.memory_space<hbm>> -> memref<128x64xf32, #tpu.memory_space<hbm>>
        %dma_wait3A_100 = arith.constant 0 : i32
        %dma_wait3A_101 = tpu.memref_slice %arg4[%mul3A_6, %dma_wait3A_100] : memref<819200x64xf32, #tpu.memory_space<hbm>> -> memref<128x64xf32, #tpu.memory_space<hbm>>
        tpu.wait_dma2 semaphore(%arg12 : memref<!tpu.dma_semaphore, #tpu.memory_space<semaphore_mem>>) src(%arg8 : memref<128x64xf32, #tpu.memory_space<vmem>>) dst(%dma_wait3A_101 : memref<128x64xf32, #tpu.memory_space<hbm>>)
      } else {
      }
      %scan3A_47 = arith.constant 0 : i32
      %scan3A_48 = arith.constant 128 : i32
      %scan3A_49 = arith.addi %scan3A_47, %scan3A_48 : i32
      %scan3A_50 = arith.constant 4 : i32
      scf.for %scan3A_98 = %scan3A_47 to %scan3A_49 step %scan3A_50  : i32 {
        %mul3A_99 = arith.constant 1 : i32
        %mul3A_100 = arith.muli %scan3A_98, %mul3A_99 : i32
        %add3A_101 = arith.constant 0 : i32
        %add3A_102 = arith.addi %add3A_101, %mul3A_100 : i32
        %get3A = arith.index_cast %add3A_102 : i32 to index
        %get3A_103 = arith.constant 0 : index
        %get3A_104 = tpu.vector_load %arg6[%get3A, %get3A_103] {strides = array<i32>} : memref<128x128xf32, #tpu.memory_space<vmem>>, vector<1x16xf32>,
        %get3A_105 = vector.shape_cast %get3A_104 : vector<1x16xf32> to vector<16xf32>
        %swap3A = arith.index_cast %add3A_102 : i32 to index
        %swap3A_106 = arith.constant 0 : index
        %swap3A_107 = tpu.vector_load %arg8[%swap3A, %swap3A_106] {strides = array<i32>} : memref<128x64xf32, #tpu.memory_space<vmem>>, vector<1x16xf32>,
        %swap3A_108 = vector.shape_cast %swap3A_107 : vector<1x16xf32> to vector<16xf32>
        %swap3A_109 = vector.shape_cast %get3A_105 : vector<16xf32> to vector<1x16xf32>
        tpu.vector_store %arg8[%swap3A, %swap3A_106], %swap3A_109 {strides = array<i32>} : memref<128x64xf32, #tpu.memory_space<vmem>>, vector<1x16xf32>,
        %get3A_110 = arith.index_cast %add3A_102 : i32 to index
        %get3A_111 = arith.constant 16 : index
        %get3A_112 = tpu.vector_load %arg6[%get3A_110, %get3A_111] {strides = array<i32>} : memref<128x128xf32, #tpu.memory_space<vmem>>, vector<1x16xf32>,
        %get3A_113 = vector.shape_cast %get3A_112 : vector<1x16xf32> to vector<16xf32>
        %swap3A_114 = arith.index_cast %add3A_102 : i32 to index
        %swap3A_115 = arith.constant 16 : index
        %swap3A_116 = tpu.vector_load %arg8[%swap3A_114, %swap3A_115] {strides = array<i32>} : memref<128x64xf32, #tpu.memory_space<vmem>>, vector<1x16xf32>,
        %swap3A_117 = vector.shape_cast %swap3A_116 : vector<1x16xf32> to vector<16xf32>
        %swap3A_118 = vector.shape_cast %get3A_113 : vector<16xf32> to vector<1x16xf32>
        tpu.vector_store %arg8[%swap3A_114, %swap3A_115], %swap3A_118 {strides = array<i32>} : memref<128x64xf32, #tpu.memory_space<vmem>>, vector<1x16xf32>,
        %get3A_119 = arith.index_cast %add3A_102 : i32 to index
        %get3A_120 = arith.constant 32 : index
        %get3A_121 = tpu.vector_load %arg6[%get3A_119, %get3A_120] {strides = array<i32>} : memref<128x128xf32, #tpu.memory_space<vmem>>, vector<1x16xf32>,
        %get3A_122 = vector.shape_cast %get3A_121 : vector<1x16xf32> to vector<16xf32>
        %swap3A_123 = arith.index_cast %add3A_102 : i32 to index
        %swap3A_124 = arith.constant 32 : index
        %swap3A_125 = tpu.vector_load %arg8[%swap3A_123, %swap3A_124] {strides = array<i32>} : memref<128x64xf32, #tpu.memory_space<vmem>>, vector<1x16xf32>,
        %swap3A_126 = vector.shape_cast %swap3A_125 : vector<1x16xf32> to vector<16xf32>
        %swap3A_127 = vector.shape_cast %get3A_122 : vector<16xf32> to vector<1x16xf32>
        tpu.vector_store %arg8[%swap3A_123, %swap3A_124], %swap3A_127 {strides = array<i32>} : memref<128x64xf32, #tpu.memory_space<vmem>>, vector<1x16xf32>,
        %get3A_128 = arith.index_cast %add3A_102 : i32 to index
        %get3A_129 = arith.constant 48 : index
        %get3A_130 = tpu.vector_load %arg6[%get3A_128, %get3A_129] {strides = array<i32>} : memref<128x128xf32, #tpu.memory_space<vmem>>, vector<1x16xf32>,
        %get3A_131 = vector.shape_cast %get3A_130 : vector<1x16xf32> to vector<16xf32>
        %swap3A_132 = arith.index_cast %add3A_102 : i32 to index
        %swap3A_133 = arith.constant 48 : index
        %swap3A_134 = tpu.vector_load %arg8[%swap3A_132, %swap3A_133] {strides = array<i32>} : memref<128x64xf32, #tpu.memory_space<vmem>>, vector<1x16xf32>,
        %swap3A_135 = vector.shape_cast %swap3A_134 : vector<1x16xf32> to vector<16xf32>
        %swap3A_136 = vector.shape_cast %get3A_131 : vector<16xf32> to vector<1x16xf32>
        tpu.vector_store %arg8[%swap3A_132, %swap3A_133], %swap3A_136 {strides = array<i32>} : memref<128x64xf32, #tpu.memory_space<vmem>>, vector<1x16xf32>,
        %scan3A_137 = arith.constant 1 : i32
        %scan3A_138 = arith.addi %scan3A_98, %scan3A_137 : i32
        %mul3A_139 = arith.constant 1 : i32
        %mul3A_140 = arith.muli %scan3A_138, %mul3A_139 : i32
        %add3A_141 = arith.constant 0 : i32
        %add3A_142 = arith.addi %add3A_141, %mul3A_140 : i32
        %get3A_143 = arith.index_cast %add3A_142 : i32 to index
        %get3A_144 = arith.constant 0 : index
        %get3A_145 = tpu.vector_load %arg6[%get3A_143, %get3A_144] {strides = array<i32>} : memref<128x128xf32, #tpu.memory_space<vmem>>, vector<1x16xf32>,
        %get3A_146 = vector.shape_cast %get3A_145 : vector<1x16xf32> to vector<16xf32>
        %swap3A_147 = arith.index_cast %add3A_142 : i32 to index
        %swap3A_148 = arith.constant 0 : index
        %swap3A_149 = tpu.vector_load %arg8[%swap3A_147, %swap3A_148] {strides = array<i32>} : memref<128x64xf32, #tpu.memory_space<vmem>>, vector<1x16xf32>,
        %swap3A_150 = vector.shape_cast %swap3A_149 : vector<1x16xf32> to vector<16xf32>
        %swap3A_151 = vector.shape_cast %get3A_146 : vector<16xf32> to vector<1x16xf32>
        tpu.vector_store %arg8[%swap3A_147, %swap3A_148], %swap3A_151 {strides = array<i32>} : memref<128x64xf32, #tpu.memory_space<vmem>>, vector<1x16xf32>,
        %get3A_152 = arith.index_cast %add3A_142 : i32 to index
        %get3A_153 = arith.constant 16 : index
        %get3A_154 = tpu.vector_load %arg6[%get3A_152, %get3A_153] {strides = array<i32>} : memref<128x128xf32, #tpu.memory_space<vmem>>, vector<1x16xf32>,
        %get3A_155 = vector.shape_cast %get3A_154 : vector<1x16xf32> to vector<16xf32>
        %swap3A_156 = arith.index_cast %add3A_142 : i32 to index
        %swap3A_157 = arith.constant 16 : index
        %swap3A_158 = tpu.vector_load %arg8[%swap3A_156, %swap3A_157] {strides = array<i32>} : memref<128x64xf32, #tpu.memory_space<vmem>>, vector<1x16xf32>,
        %swap3A_159 = vector.shape_cast %swap3A_158 : vector<1x16xf32> to vector<16xf32>
        %swap3A_160 = vector.shape_cast %get3A_155 : vector<16xf32> to vector<1x16xf32>
        tpu.vector_store %arg8[%swap3A_156, %swap3A_157], %swap3A_160 {strides = array<i32>} : memref<128x64xf32, #tpu.memory_space<vmem>>, vector<1x16xf32>,
        %get3A_161 = arith.index_cast %add3A_142 : i32 to index
        %get3A_162 = arith.constant 32 : index
        %get3A_163 = tpu.vector_load %arg6[%get3A_161, %get3A_162] {strides = array<i32>} : memref<128x128xf32, #tpu.memory_space<vmem>>, vector<1x16xf32>,
        %get3A_164 = vector.shape_cast %get3A_163 : vector<1x16xf32> to vector<16xf32>
        %swap3A_165 = arith.index_cast %add3A_142 : i32 to index
        %swap3A_166 = arith.constant 32 : index
        %swap3A_167 = tpu.vector_load %arg8[%swap3A_165, %swap3A_166] {strides = array<i32>} : memref<128x64xf32, #tpu.memory_space<vmem>>, vector<1x16xf32>,
        %swap3A_168 = vector.shape_cast %swap3A_167 : vector<1x16xf32> to vector<16xf32>
        %swap3A_169 = vector.shape_cast %get3A_164 : vector<16xf32> to vector<1x16xf32>
        tpu.vector_store %arg8[%swap3A_165, %swap3A_166], %swap3A_169 {strides = array<i32>} : memref<128x64xf32, #tpu.memory_space<vmem>>, vector<1x16xf32>,
        %get3A_170 = arith.index_cast %add3A_142 : i32 to index
        %get3A_171 = arith.constant 48 : index
        %get3A_172 = tpu.vector_load %arg6[%get3A_170, %get3A_171] {strides = array<i32>} : memref<128x128xf32, #tpu.memory_space<vmem>>, vector<1x16xf32>,
        %get3A_173 = vector.shape_cast %get3A_172 : vector<1x16xf32> to vector<16xf32>
        %swap3A_174 = arith.index_cast %add3A_142 : i32 to index
        %swap3A_175 = arith.constant 48 : index
        %swap3A_176 = tpu.vector_load %arg8[%swap3A_174, %swap3A_175] {strides = array<i32>} : memref<128x64xf32, #tpu.memory_space<vmem>>, vector<1x16xf32>,
        %swap3A_177 = vector.shape_cast %swap3A_176 : vector<1x16xf32> to vector<16xf32>
        %swap3A_178 = vector.shape_cast %get3A_173 : vector<16xf32> to vector<1x16xf32>
        tpu.vector_store %arg8[%swap3A_174, %swap3A_175], %swap3A_178 {strides = array<i32>} : memref<128x64xf32, #tpu.memory_space<vmem>>, vector<1x16xf32>,
        %scan3A_179 = arith.constant 2 : i32
        %scan3A_180 = arith.addi %scan3A_98, %scan3A_179 : i32
        %mul3A_181 = arith.constant 1 : i32
        %mul3A_182 = arith.muli %scan3A_180, %mul3A_181 : i32
        %add3A_183 = arith.constant 0 : i32
        %add3A_184 = arith.addi %add3A_183, %mul3A_182 : i32
        %get3A_185 = arith.index_cast %add3A_184 : i32 to index
        %get3A_186 = arith.constant 0 : index
        %get3A_187 = tpu.vector_load %arg6[%get3A_185, %get3A_186] {strides = array<i32>} : memref<128x128xf32, #tpu.memory_space<vmem>>, vector<1x16xf32>,
        %get3A_188 = vector.shape_cast %get3A_187 : vector<1x16xf32> to vector<16xf32>
        %swap3A_189 = arith.index_cast %add3A_184 : i32 to index
        %swap3A_190 = arith.constant 0 : index
        %swap3A_191 = tpu.vector_load %arg8[%swap3A_189, %swap3A_190] {strides = array<i32>} : memref<128x64xf32, #tpu.memory_space<vmem>>, vector<1x16xf32>,
        %swap3A_192 = vector.shape_cast %swap3A_191 : vector<1x16xf32> to vector<16xf32>
        %swap3A_193 = vector.shape_cast %get3A_188 : vector<16xf32> to vector<1x16xf32>
        tpu.vector_store %arg8[%swap3A_189, %swap3A_190], %swap3A_193 {strides = array<i32>} : memref<128x64xf32, #tpu.memory_space<vmem>>, vector<1x16xf32>,
        %get3A_194 = arith.index_cast %add3A_184 : i32 to index
        %get3A_195 = arith.constant 16 : index
        %get3A_196 = tpu.vector_load %arg6[%get3A_194, %get3A_195] {strides = array<i32>} : memref<128x128xf32, #tpu.memory_space<vmem>>, vector<1x16xf32>,
        %get3A_197 = vector.shape_cast %get3A_196 : vector<1x16xf32> to vector<16xf32>
        %swap3A_198 = arith.index_cast %add3A_184 : i32 to index
        %swap3A_199 = arith.constant 16 : index
        %swap3A_200 = tpu.vector_load %arg8[%swap3A_198, %swap3A_199] {strides = array<i32>} : memref<128x64xf32, #tpu.memory_space<vmem>>, vector<1x16xf32>,
        %swap3A_201 = vector.shape_cast %swap3A_200 : vector<1x16xf32> to vector<16xf32>
        %swap3A_202 = vector.shape_cast %get3A_197 : vector<16xf32> to vector<1x16xf32>
        tpu.vector_store %arg8[%swap3A_198, %swap3A_199], %swap3A_202 {strides = array<i32>} : memref<128x64xf32, #tpu.memory_space<vmem>>, vector<1x16xf32>,
        %get3A_203 = arith.index_cast %add3A_184 : i32 to index
        %get3A_204 = arith.constant 32 : index
        %get3A_205 = tpu.vector_load %arg6[%get3A_203, %get3A_204] {strides = array<i32>} : memref<128x128xf32, #tpu.memory_space<vmem>>, vector<1x16xf32>,
        %get3A_206 = vector.shape_cast %get3A_205 : vector<1x16xf32> to vector<16xf32>
        %swap3A_207 = arith.index_cast %add3A_184 : i32 to index
        %swap3A_208 = arith.constant 32 : index
        %swap3A_209 = tpu.vector_load %arg8[%swap3A_207, %swap3A_208] {strides = array<i32>} : memref<128x64xf32, #tpu.memory_space<vmem>>, vector<1x16xf32>,
        %swap3A_210 = vector.shape_cast %swap3A_209 : vector<1x16xf32> to vector<16xf32>
        %swap3A_211 = vector.shape_cast %get3A_206 : vector<16xf32> to vector<1x16xf32>
        tpu.vector_store %arg8[%swap3A_207, %swap3A_208], %swap3A_211 {strides = array<i32>} : memref<128x64xf32, #tpu.memory_space<vmem>>, vector<1x16xf32>,
        %get3A_212 = arith.index_cast %add3A_184 : i32 to index
        %get3A_213 = arith.constant 48 : index
        %get3A_214 = tpu.vector_load %arg6[%get3A_212, %get3A_213] {strides = array<i32>} : memref<128x128xf32, #tpu.memory_space<vmem>>, vector<1x16xf32>,
        %get3A_215 = vector.shape_cast %get3A_214 : vector<1x16xf32> to vector<16xf32>
        %swap3A_216 = arith.index_cast %add3A_184 : i32 to index
        %swap3A_217 = arith.constant 48 : index
        %swap3A_218 = tpu.vector_load %arg8[%swap3A_216, %swap3A_217] {strides = array<i32>} : memref<128x64xf32, #tpu.memory_space<vmem>>, vector<1x16xf32>,
        %swap3A_219 = vector.shape_cast %swap3A_218 : vector<1x16xf32> to vector<16xf32>
        %swap3A_220 = vector.shape_cast %get3A_215 : vector<16xf32> to vector<1x16xf32>
        tpu.vector_store %arg8[%swap3A_216, %swap3A_217], %swap3A_220 {strides = array<i32>} : memref<128x64xf32, #tpu.memory_space<vmem>>, vector<1x16xf32>,
        %scan3A_221 = arith.constant 3 : i32
        %scan3A_222 = arith.addi %scan3A_98, %scan3A_221 : i32
        %mul3A_223 = arith.constant 1 : i32
        %mul3A_224 = arith.muli %scan3A_222, %mul3A_223 : i32
        %add3A_225 = arith.constant 0 : i32
        %add3A_226 = arith.addi %add3A_225, %mul3A_224 : i32
        %get3A_227 = arith.index_cast %add3A_226 : i32 to index
        %get3A_228 = arith.constant 0 : index
        %get3A_229 = tpu.vector_load %arg6[%get3A_227, %get3A_228] {strides = array<i32>} : memref<128x128xf32, #tpu.memory_space<vmem>>, vector<1x16xf32>,
        %get3A_230 = vector.shape_cast %get3A_229 : vector<1x16xf32> to vector<16xf32>
        %swap3A_231 = arith.index_cast %add3A_226 : i32 to index
        %swap3A_232 = arith.constant 0 : index
        %swap3A_233 = tpu.vector_load %arg8[%swap3A_231, %swap3A_232] {strides = array<i32>} : memref<128x64xf32, #tpu.memory_space<vmem>>, vector<1x16xf32>,
        %swap3A_234 = vector.shape_cast %swap3A_233 : vector<1x16xf32> to vector<16xf32>
        %swap3A_235 = vector.shape_cast %get3A_230 : vector<16xf32> to vector<1x16xf32>
        tpu.vector_store %arg8[%swap3A_231, %swap3A_232], %swap3A_235 {strides = array<i32>} : memref<128x64xf32, #tpu.memory_space<vmem>>, vector<1x16xf32>,
        %get3A_236 = arith.index_cast %add3A_226 : i32 to index
        %get3A_237 = arith.constant 16 : index
        %get3A_238 = tpu.vector_load %arg6[%get3A_236, %get3A_237] {strides = array<i32>} : memref<128x128xf32, #tpu.memory_space<vmem>>, vector<1x16xf32>,
        %get3A_239 = vector.shape_cast %get3A_238 : vector<1x16xf32> to vector<16xf32>
        %swap3A_240 = arith.index_cast %add3A_226 : i32 to index
        %swap3A_241 = arith.constant 16 : index
        %swap3A_242 = tpu.vector_load %arg8[%swap3A_240, %swap3A_241] {strides = array<i32>} : memref<128x64xf32, #tpu.memory_space<vmem>>, vector<1x16xf32>,
        %swap3A_243 = vector.shape_cast %swap3A_242 : vector<1x16xf32> to vector<16xf32>
        %swap3A_244 = vector.shape_cast %get3A_239 : vector<16xf32> to vector<1x16xf32>
        tpu.vector_store %arg8[%swap3A_240, %swap3A_241], %swap3A_244 {strides = array<i32>} : memref<128x64xf32, #tpu.memory_space<vmem>>, vector<1x16xf32>,
        %get3A_245 = arith.index_cast %add3A_226 : i32 to index
        %get3A_246 = arith.constant 32 : index
        %get3A_247 = tpu.vector_load %arg6[%get3A_245, %get3A_246] {strides = array<i32>} : memref<128x128xf32, #tpu.memory_space<vmem>>, vector<1x16xf32>,
        %get3A_248 = vector.shape_cast %get3A_247 : vector<1x16xf32> to vector<16xf32>
        %swap3A_249 = arith.index_cast %add3A_226 : i32 to index
        %swap3A_250 = arith.constant 32 : index
        %swap3A_251 = tpu.vector_load %arg8[%swap3A_249, %swap3A_250] {strides = array<i32>} : memref<128x64xf32, #tpu.memory_space<vmem>>, vector<1x16xf32>,
        %swap3A_252 = vector.shape_cast %swap3A_251 : vector<1x16xf32> to vector<16xf32>
        %swap3A_253 = vector.shape_cast %get3A_248 : vector<16xf32> to vector<1x16xf32>
        tpu.vector_store %arg8[%swap3A_249, %swap3A_250], %swap3A_253 {strides = array<i32>} : memref<128x64xf32, #tpu.memory_space<vmem>>, vector<1x16xf32>,
        %get3A_254 = arith.index_cast %add3A_226 : i32 to index
        %get3A_255 = arith.constant 48 : index
        %get3A_256 = tpu.vector_load %arg6[%get3A_254, %get3A_255] {strides = array<i32>} : memref<128x128xf32, #tpu.memory_space<vmem>>, vector<1x16xf32>,
        %get3A_257 = vector.shape_cast %get3A_256 : vector<1x16xf32> to vector<16xf32>
        %swap3A_258 = arith.index_cast %add3A_226 : i32 to index
        %swap3A_259 = arith.constant 48 : index
        %swap3A_260 = tpu.vector_load %arg8[%swap3A_258, %swap3A_259] {strides = array<i32>} : memref<128x64xf32, #tpu.memory_space<vmem>>, vector<1x16xf32>,
        %swap3A_261 = vector.shape_cast %swap3A_260 : vector<1x16xf32> to vector<16xf32>
        %swap3A_262 = vector.shape_cast %get3A_257 : vector<16xf32> to vector<1x16xf32>
        tpu.vector_store %arg8[%swap3A_258, %swap3A_259], %swap3A_262 {strides = array<i32>} : memref<128x64xf32, #tpu.memory_space<vmem>>, vector<1x16xf32>,
      }
      %scan3A_51 = arith.constant 128 : i32
      %add3A_52 = arith.constant 2 : i32
      %add3A_53 = arith.addi %add3A_37, %add3A_52 : i32
      %lt3A = arith.constant 200 : i32
      %lt3A_54 = arith.cmpi slt, %add3A_53, %lt3A : i32
      %convert_element_type3A_55 = arith.extui %lt3A_54 : i1 to i32
      %cond3A_56 = arith.constant 0 : i32
      %cond3A_57 = arith.cmpi ne, %convert_element_type3A_55, %cond3A_56 : i32
      scf.if %cond3A_57 {
        %add3A_98 = arith.constant 2 : i32
        %add3A_99 = arith.addi %add3A_37, %add3A_98 : i32
        %dma_start3A_100 = arith.constant 0 : i32
        %dma_start3A_101 = tpu.memref_slice %arg5[%add3A_99, %dma_start3A_100] : memref<200x128xi32, #tpu.memory_space<vmem>> -> memref<1x128xi32, #tpu.memory_space<vmem>>
        %dma_start3A_102 = tpu.memref_squeeze %dma_start3A_101 : memref<1x128xi32, #tpu.memory_space<vmem>> -> memref<128xi32, #tpu.memory_space<vmem>>
        %dma_start3A_103 = arith.constant 0 : i32
        %dma_start3A_104 = arith.constant 0 : i32
        %dma_start3A_105 = tpu.memref_slice %arg3[%dma_start3A_103, %dma_start3A_104] : memref<1000000x128xf32, #tpu.memory_space<hbm>> -> memref<1000000x128xf32, #tpu.memory_space<hbm>>
        tpu.enqueue_indirect_dma source(%dma_start3A_105 : memref<1000000x128xf32, #tpu.memory_space<hbm>>) target(%arg6 : memref<128x128xf32, #tpu.memory_space<vmem>>) offsets(%dma_start3A_102 : memref<128xi32, #tpu.memory_space<vmem>>) semaphore(%arg10 : memref<!tpu.dma_semaphore, #tpu.memory_space<semaphore_mem>>)
      } else {
      }
      %mul3A_58 = arith.constant 128 : i32
      %mul3A_59 = arith.muli %add3A_37, %mul3A_58 : i32
      %add3A_60 = arith.addi %mul3A_6, %mul3A_59 : i32
      %dma_start3A_61 = arith.constant 0 : i32
      %dma_start3A_62 = tpu.memref_slice %arg4[%add3A_60, %dma_start3A_61] : memref<819200x64xf32, #tpu.memory_space<hbm>> -> memref<128x64xf32, #tpu.memory_space<hbm>>
      %dma_start3A_63 = arith.constant 0 : i32
      %dma_start3A_64 = tpu.memref_slice %arg4[%add3A_60, %dma_start3A_63] : memref<819200x64xf32, #tpu.memory_space<hbm>> -> memref<128x64xf32, #tpu.memory_space<hbm>>
      tpu.enqueue_dma source(%arg8 : memref<128x64xf32, #tpu.memory_space<vmem>>) target(%dma_start3A_64 : memref<128x64xf32, #tpu.memory_space<hbm>>) target_semaphore(%arg12 : memref<!tpu.dma_semaphore, #tpu.memory_space<semaphore_mem>>)
      %add3A_65 = arith.constant 1 : i32
      %add3A_66 = arith.addi %add3A_35, %add3A_65 : i32
      %dma_wait3A_67 = arith.constant 0 : i32
      %dma_wait3A_68 = arith.constant 0 : i32
      %dma_wait3A_69 = tpu.memref_slice %arg5[%dma_wait3A_67, %dma_wait3A_68] : memref<200x128xi32, #tpu.memory_space<vmem>> -> memref<1x128xi32, #tpu.memory_space<vmem>>
      %dma_wait3A_70 = tpu.memref_squeeze %dma_wait3A_69 : memref<1x128xi32, #tpu.memory_space<vmem>> -> memref<128xi32, #tpu.memory_space<vmem>>
      %dma_wait3A_71 = arith.constant 0 : i32
      %dma_wait3A_72 = arith.constant 0 : i32
      %dma_wait3A_73 = tpu.memref_slice %arg3[%dma_wait3A_71, %dma_wait3A_72] : memref<1000000x128xf32, #tpu.memory_space<hbm>> -> memref<1000000x128xf32, #tpu.memory_space<hbm>>
      tpu.wait_indirect_dma semaphore(%arg11 : memref<!tpu.dma_semaphore, #tpu.memory_space<semaphore_mem>>) src(%dma_wait3A_73 : memref<1000000x128xf32, #tpu.memory_space<hbm>>) dst(%arg7 : memref<128x128xf32, #tpu.memory_space<vmem>>)
      %ge3A_74 = arith.constant 2 : i32
      %ge3A_75 = arith.cmpi sge, %add3A_66, %ge3A_74 : i32
      %convert_element_type3A_76 = arith.extui %ge3A_75 : i1 to i32
      %cond3A_77 = arith.constant 0 : i32
      %cond3A_78 = arith.cmpi ne, %convert_element_type3A_76, %cond3A_77 : i32
      scf.if %cond3A_78 {
        %dma_wait3A_98 = arith.constant 0 : i32
        %dma_wait3A_99 = tpu.memref_slice %arg4[%mul3A_6, %dma_wait3A_98] : memref<819200x64xf32, #tpu.memory_space<hbm>> -> memref<128x64xf32, #tpu.memory_space<hbm>>
        %dma_wait3A_100 = arith.constant 0 : i32
        %dma_wait3A_101 = tpu.memref_slice %arg4[%mul3A_6, %dma_wait3A_100] : memref<819200x64xf32, #tpu.memory_space<hbm>> -> memref<128x64xf32, #tpu.memory_space<hbm>>
        tpu.wait_dma2 semaphore(%arg13 : memref<!tpu.dma_semaphore, #tpu.memory_space<semaphore_mem>>) src(%arg9 : memref<128x64xf32, #tpu.memory_space<vmem>>) dst(%dma_wait3A_101 : memref<128x64xf32, #tpu.memory_space<hbm>>)
      } else {
      }
      %scan3A_79 = arith.constant 0 : i32
      %scan3A_80 = arith.constant 128 : i32
      %scan3A_81 = arith.addi %scan3A_79, %scan3A_80 : i32
      %scan3A_82 = arith.constant 4 : i32
      scf.for %scan3A_98 = %scan3A_79 to %scan3A_81 step %scan3A_82  : i32 {
        %mul3A_99 = arith.constant 1 : i32
        %mul3A_100 = arith.muli %scan3A_98, %mul3A_99 : i32
        %add3A_101 = arith.constant 0 : i32
        %add3A_102 = arith.addi %add3A_101, %mul3A_100 : i32
        %get3A = arith.index_cast %add3A_102 : i32 to index
        %get3A_103 = arith.constant 0 : index
        %get3A_104 = tpu.vector_load %arg7[%get3A, %get3A_103] {strides = array<i32>} : memref<128x128xf32, #tpu.memory_space<vmem>>, vector<1x16xf32>,
        %get3A_105 = vector.shape_cast %get3A_104 : vector<1x16xf32> to vector<16xf32>
        %swap3A = arith.index_cast %add3A_102 : i32 to index
        %swap3A_106 = arith.constant 0 : index
        %swap3A_107 = tpu.vector_load %arg9[%swap3A, %swap3A_106] {strides = array<i32>} : memref<128x64xf32, #tpu.memory_space<vmem>>, vector<1x16xf32>,
        %swap3A_108 = vector.shape_cast %swap3A_107 : vector<1x16xf32> to vector<16xf32>
        %swap3A_109 = vector.shape_cast %get3A_105 : vector<16xf32> to vector<1x16xf32>
        tpu.vector_store %arg9[%swap3A, %swap3A_106], %swap3A_109 {strides = array<i32>} : memref<128x64xf32, #tpu.memory_space<vmem>>, vector<1x16xf32>,
        %get3A_110 = arith.index_cast %add3A_102 : i32 to index
        %get3A_111 = arith.constant 16 : index
        %get3A_112 = tpu.vector_load %arg7[%get3A_110, %get3A_111] {strides = array<i32>} : memref<128x128xf32, #tpu.memory_space<vmem>>, vector<1x16xf32>,
        %get3A_113 = vector.shape_cast %get3A_112 : vector<1x16xf32> to vector<16xf32>
        %swap3A_114 = arith.index_cast %add3A_102 : i32 to index
        %swap3A_115 = arith.constant 16 : index
        %swap3A_116 = tpu.vector_load %arg9[%swap3A_114, %swap3A_115] {strides = array<i32>} : memref<128x64xf32, #tpu.memory_space<vmem>>, vector<1x16xf32>,
        %swap3A_117 = vector.shape_cast %swap3A_116 : vector<1x16xf32> to vector<16xf32>
        %swap3A_118 = vector.shape_cast %get3A_113 : vector<16xf32> to vector<1x16xf32>
        tpu.vector_store %arg9[%swap3A_114, %swap3A_115], %swap3A_118 {strides = array<i32>} : memref<128x64xf32, #tpu.memory_space<vmem>>, vector<1x16xf32>,
        %get3A_119 = arith.index_cast %add3A_102 : i32 to index
        %get3A_120 = arith.constant 32 : index
        %get3A_121 = tpu.vector_load %arg7[%get3A_119, %get3A_120] {strides = array<i32>} : memref<128x128xf32, #tpu.memory_space<vmem>>, vector<1x16xf32>,
        %get3A_122 = vector.shape_cast %get3A_121 : vector<1x16xf32> to vector<16xf32>
        %swap3A_123 = arith.index_cast %add3A_102 : i32 to index
        %swap3A_124 = arith.constant 32 : index
        %swap3A_125 = tpu.vector_load %arg9[%swap3A_123, %swap3A_124] {strides = array<i32>} : memref<128x64xf32, #tpu.memory_space<vmem>>, vector<1x16xf32>,
        %swap3A_126 = vector.shape_cast %swap3A_125 : vector<1x16xf32> to vector<16xf32>
        %swap3A_127 = vector.shape_cast %get3A_122 : vector<16xf32> to vector<1x16xf32>
        tpu.vector_store %arg9[%swap3A_123, %swap3A_124], %swap3A_127 {strides = array<i32>} : memref<128x64xf32, #tpu.memory_space<vmem>>, vector<1x16xf32>,
        %get3A_128 = arith.index_cast %add3A_102 : i32 to index
        %get3A_129 = arith.constant 48 : index
        %get3A_130 = tpu.vector_load %arg7[%get3A_128, %get3A_129] {strides = array<i32>} : memref<128x128xf32, #tpu.memory_space<vmem>>, vector<1x16xf32>,
        %get3A_131 = vector.shape_cast %get3A_130 : vector<1x16xf32> to vector<16xf32>
        %swap3A_132 = arith.index_cast %add3A_102 : i32 to index
        %swap3A_133 = arith.constant 48 : index
        %swap3A_134 = tpu.vector_load %arg9[%swap3A_132, %swap3A_133] {strides = array<i32>} : memref<128x64xf32, #tpu.memory_space<vmem>>, vector<1x16xf32>,
        %swap3A_135 = vector.shape_cast %swap3A_134 : vector<1x16xf32> to vector<16xf32>
        %swap3A_136 = vector.shape_cast %get3A_131 : vector<16xf32> to vector<1x16xf32>
        tpu.vector_store %arg9[%swap3A_132, %swap3A_133], %swap3A_136 {strides = array<i32>} : memref<128x64xf32, #tpu.memory_space<vmem>>, vector<1x16xf32>,
        %scan3A_137 = arith.constant 1 : i32
        %scan3A_138 = arith.addi %scan3A_98, %scan3A_137 : i32
        %mul3A_139 = arith.constant 1 : i32
        %mul3A_140 = arith.muli %scan3A_138, %mul3A_139 : i32
        %add3A_141 = arith.constant 0 : i32
        %add3A_142 = arith.addi %add3A_141, %mul3A_140 : i32
        %get3A_143 = arith.index_cast %add3A_142 : i32 to index
        %get3A_144 = arith.constant 0 : index
        %get3A_145 = tpu.vector_load %arg7[%get3A_143, %get3A_144] {strides = array<i32>} : memref<128x128xf32, #tpu.memory_space<vmem>>, vector<1x16xf32>,
        %get3A_146 = vector.shape_cast %get3A_145 : vector<1x16xf32> to vector<16xf32>
        %swap3A_147 = arith.index_cast %add3A_142 : i32 to index
        %swap3A_148 = arith.constant 0 : index
        %swap3A_149 = tpu.vector_load %arg9[%swap3A_147, %swap3A_148] {strides = array<i32>} : memref<128x64xf32, #tpu.memory_space<vmem>>, vector<1x16xf32>,
        %swap3A_150 = vector.shape_cast %swap3A_149 : vector<1x16xf32> to vector<16xf32>
        %swap3A_151 = vector.shape_cast %get3A_146 : vector<16xf32> to vector<1x16xf32>
        tpu.vector_store %arg9[%swap3A_147, %swap3A_148], %swap3A_151 {strides = array<i32>} : memref<128x64xf32, #tpu.memory_space<vmem>>, vector<1x16xf32>,
        %get3A_152 = arith.index_cast %add3A_142 : i32 to index
        %get3A_153 = arith.constant 16 : index
        %get3A_154 = tpu.vector_load %arg7[%get3A_152, %get3A_153] {strides = array<i32>} : memref<128x128xf32, #tpu.memory_space<vmem>>, vector<1x16xf32>,
        %get3A_155 = vector.shape_cast %get3A_154 : vector<1x16xf32> to vector<16xf32>
        %swap3A_156 = arith.index_cast %add3A_142 : i32 to index
        %swap3A_157 = arith.constant 16 : index
        %swap3A_158 = tpu.vector_load %arg9[%swap3A_156, %swap3A_157] {strides = array<i32>} : memref<128x64xf32, #tpu.memory_space<vmem>>, vector<1x16xf32>,
        %swap3A_159 = vector.shape_cast %swap3A_158 : vector<1x16xf32> to vector<16xf32>
        %swap3A_160 = vector.shape_cast %get3A_155 : vector<16xf32> to vector<1x16xf32>
        tpu.vector_store %arg9[%swap3A_156, %swap3A_157], %swap3A_160 {strides = array<i32>} : memref<128x64xf32, #tpu.memory_space<vmem>>, vector<1x16xf32>,
        %get3A_161 = arith.index_cast %add3A_142 : i32 to index
        %get3A_162 = arith.constant 32 : index
        %get3A_163 = tpu.vector_load %arg7[%get3A_161, %get3A_162] {strides = array<i32>} : memref<128x128xf32, #tpu.memory_space<vmem>>, vector<1x16xf32>,
        %get3A_164 = vector.shape_cast %get3A_163 : vector<1x16xf32> to vector<16xf32>
        %swap3A_165 = arith.index_cast %add3A_142 : i32 to index
        %swap3A_166 = arith.constant 32 : index
        %swap3A_167 = tpu.vector_load %arg9[%swap3A_165, %swap3A_166] {strides = array<i32>} : memref<128x64xf32, #tpu.memory_space<vmem>>, vector<1x16xf32>,
        %swap3A_168 = vector.shape_cast %swap3A_167 : vector<1x16xf32> to vector<16xf32>
        %swap3A_169 = vector.shape_cast %get3A_164 : vector<16xf32> to vector<1x16xf32>
        tpu.vector_store %arg9[%swap3A_165, %swap3A_166], %swap3A_169 {strides = array<i32>} : memref<128x64xf32, #tpu.memory_space<vmem>>, vector<1x16xf32>,
        %get3A_170 = arith.index_cast %add3A_142 : i32 to index
        %get3A_171 = arith.constant 48 : index
        %get3A_172 = tpu.vector_load %arg7[%get3A_170, %get3A_171] {strides = array<i32>} : memref<128x128xf32, #tpu.memory_space<vmem>>, vector<1x16xf32>,
        %get3A_173 = vector.shape_cast %get3A_172 : vector<1x16xf32> to vector<16xf32>
        %swap3A_174 = arith.index_cast %add3A_142 : i32 to index
        %swap3A_175 = arith.constant 48 : index
        %swap3A_176 = tpu.vector_load %arg9[%swap3A_174, %swap3A_175] {strides = array<i32>} : memref<128x64xf32, #tpu.memory_space<vmem>>, vector<1x16xf32>,
        %swap3A_177 = vector.shape_cast %swap3A_176 : vector<1x16xf32> to vector<16xf32>
        %swap3A_178 = vector.shape_cast %get3A_173 : vector<16xf32> to vector<1x16xf32>
        tpu.vector_store %arg9[%swap3A_174, %swap3A_175], %swap3A_178 {strides = array<i32>} : memref<128x64xf32, #tpu.memory_space<vmem>>, vector<1x16xf32>,
        %scan3A_179 = arith.constant 2 : i32
        %scan3A_180 = arith.addi %scan3A_98, %scan3A_179 : i32
        %mul3A_181 = arith.constant 1 : i32
        %mul3A_182 = arith.muli %scan3A_180, %mul3A_181 : i32
        %add3A_183 = arith.constant 0 : i32
        %add3A_184 = arith.addi %add3A_183, %mul3A_182 : i32
        %get3A_185 = arith.index_cast %add3A_184 : i32 to index
        %get3A_186 = arith.constant 0 : index
        %get3A_187 = tpu.vector_load %arg7[%get3A_185, %get3A_186] {strides = array<i32>} : memref<128x128xf32, #tpu.memory_space<vmem>>, vector<1x16xf32>,
        %get3A_188 = vector.shape_cast %get3A_187 : vector<1x16xf32> to vector<16xf32>
        %swap3A_189 = arith.index_cast %add3A_184 : i32 to index
        %swap3A_190 = arith.constant 0 : index
        %swap3A_191 = tpu.vector_load %arg9[%swap3A_189, %swap3A_190] {strides = array<i32>} : memref<128x64xf32, #tpu.memory_space<vmem>>, vector<1x16xf32>,
        %swap3A_192 = vector.shape_cast %swap3A_191 : vector<1x16xf32> to vector<16xf32>
        %swap3A_193 = vector.shape_cast %get3A_188 : vector<16xf32> to vector<1x16xf32>
        tpu.vector_store %arg9[%swap3A_189, %swap3A_190], %swap3A_193 {strides = array<i32>} : memref<128x64xf32, #tpu.memory_space<vmem>>, vector<1x16xf32>,
        %get3A_194 = arith.index_cast %add3A_184 : i32 to index
        %get3A_195 = arith.constant 16 : index
        %get3A_196 = tpu.vector_load %arg7[%get3A_194, %get3A_195] {strides = array<i32>} : memref<128x128xf32, #tpu.memory_space<vmem>>, vector<1x16xf32>,
        %get3A_197 = vector.shape_cast %get3A_196 : vector<1x16xf32> to vector<16xf32>
        %swap3A_198 = arith.index_cast %add3A_184 : i32 to index
        %swap3A_199 = arith.constant 16 : index
        %swap3A_200 = tpu.vector_load %arg9[%swap3A_198, %swap3A_199] {strides = array<i32>} : memref<128x64xf32, #tpu.memory_space<vmem>>, vector<1x16xf32>,
        %swap3A_201 = vector.shape_cast %swap3A_200 : vector<1x16xf32> to vector<16xf32>
        %swap3A_202 = vector.shape_cast %get3A_197 : vector<16xf32> to vector<1x16xf32>
        tpu.vector_store %arg9[%swap3A_198, %swap3A_199], %swap3A_202 {strides = array<i32>} : memref<128x64xf32, #tpu.memory_space<vmem>>, vector<1x16xf32>,
        %get3A_203 = arith.index_cast %add3A_184 : i32 to index
        %get3A_204 = arith.constant 32 : index
        %get3A_205 = tpu.vector_load %arg7[%get3A_203, %get3A_204] {strides = array<i32>} : memref<128x128xf32, #tpu.memory_space<vmem>>, vector<1x16xf32>,
        %get3A_206 = vector.shape_cast %get3A_205 : vector<1x16xf32> to vector<16xf32>
        %swap3A_207 = arith.index_cast %add3A_184 : i32 to index
        %swap3A_208 = arith.constant 32 : index
        %swap3A_209 = tpu.vector_load %arg9[%swap3A_207, %swap3A_208] {strides = array<i32>} : memref<128x64xf32, #tpu.memory_space<vmem>>, vector<1x16xf32>,
        %swap3A_210 = vector.shape_cast %swap3A_209 : vector<1x16xf32> to vector<16xf32>
        %swap3A_211 = vector.shape_cast %get3A_206 : vector<16xf32> to vector<1x16xf32>
        tpu.vector_store %arg9[%swap3A_207, %swap3A_208], %swap3A_211 {strides = array<i32>} : memref<128x64xf32, #tpu.memory_space<vmem>>, vector<1x16xf32>,
        %get3A_212 = arith.index_cast %add3A_184 : i32 to index
        %get3A_213 = arith.constant 48 : index
        %get3A_214 = tpu.vector_load %arg7[%get3A_212, %get3A_213] {strides = array<i32>} : memref<128x128xf32, #tpu.memory_space<vmem>>, vector<1x16xf32>,
        %get3A_215 = vector.shape_cast %get3A_214 : vector<1x16xf32> to vector<16xf32>
        %swap3A_216 = arith.index_cast %add3A_184 : i32 to index
        %swap3A_217 = arith.constant 48 : index
        %swap3A_218 = tpu.vector_load %arg9[%swap3A_216, %swap3A_217] {strides = array<i32>} : memref<128x64xf32, #tpu.memory_space<vmem>>, vector<1x16xf32>,
        %swap3A_219 = vector.shape_cast %swap3A_218 : vector<1x16xf32> to vector<16xf32>
        %swap3A_220 = vector.shape_cast %get3A_215 : vector<16xf32> to vector<1x16xf32>
        tpu.vector_store %arg9[%swap3A_216, %swap3A_217], %swap3A_220 {strides = array<i32>} : memref<128x64xf32, #tpu.memory_space<vmem>>, vector<1x16xf32>,
        %scan3A_221 = arith.constant 3 : i32
        %scan3A_222 = arith.addi %scan3A_98, %scan3A_221 : i32
        %mul3A_223 = arith.constant 1 : i32
        %mul3A_224 = arith.muli %scan3A_222, %mul3A_223 : i32
        %add3A_225 = arith.constant 0 : i32
        %add3A_226 = arith.addi %add3A_225, %mul3A_224 : i32
        %get3A_227 = arith.index_cast %add3A_226 : i32 to index
        %get3A_228 = arith.constant 0 : index
        %get3A_229 = tpu.vector_load %arg7[%get3A_227, %get3A_228] {strides = array<i32>} : memref<128x128xf32, #tpu.memory_space<vmem>>, vector<1x16xf32>,
        %get3A_230 = vector.shape_cast %get3A_229 : vector<1x16xf32> to vector<16xf32>
        %swap3A_231 = arith.index_cast %add3A_226 : i32 to index
        %swap3A_232 = arith.constant 0 : index
        %swap3A_233 = tpu.vector_load %arg9[%swap3A_231, %swap3A_232] {strides = array<i32>} : memref<128x64xf32, #tpu.memory_space<vmem>>, vector<1x16xf32>,
        %swap3A_234 = vector.shape_cast %swap3A_233 : vector<1x16xf32> to vector<16xf32>
        %swap3A_235 = vector.shape_cast %get3A_230 : vector<16xf32> to vector<1x16xf32>
        tpu.vector_store %arg9[%swap3A_231, %swap3A_232], %swap3A_235 {strides = array<i32>} : memref<128x64xf32, #tpu.memory_space<vmem>>, vector<1x16xf32>,
        %get3A_236 = arith.index_cast %add3A_226 : i32 to index
        %get3A_237 = arith.constant 16 : index
        %get3A_238 = tpu.vector_load %arg7[%get3A_236, %get3A_237] {strides = array<i32>} : memref<128x128xf32, #tpu.memory_space<vmem>>, vector<1x16xf32>,
        %get3A_239 = vector.shape_cast %get3A_238 : vector<1x16xf32> to vector<16xf32>
        %swap3A_240 = arith.index_cast %add3A_226 : i32 to index
        %swap3A_241 = arith.constant 16 : index
        %swap3A_242 = tpu.vector_load %arg9[%swap3A_240, %swap3A_241] {strides = array<i32>} : memref<128x64xf32, #tpu.memory_space<vmem>>, vector<1x16xf32>,
        %swap3A_243 = vector.shape_cast %swap3A_242 : vector<1x16xf32> to vector<16xf32>
        %swap3A_244 = vector.shape_cast %get3A_239 : vector<16xf32> to vector<1x16xf32>
        tpu.vector_store %arg9[%swap3A_240, %swap3A_241], %swap3A_244 {strides = array<i32>} : memref<128x64xf32, #tpu.memory_space<vmem>>, vector<1x16xf32>,
        %get3A_245 = arith.index_cast %add3A_226 : i32 to index
        %get3A_246 = arith.constant 32 : index
        %get3A_247 = tpu.vector_load %arg7[%get3A_245, %get3A_246] {strides = array<i32>} : memref<128x128xf32, #tpu.memory_space<vmem>>, vector<1x16xf32>,
        %get3A_248 = vector.shape_cast %get3A_247 : vector<1x16xf32> to vector<16xf32>
        %swap3A_249 = arith.index_cast %add3A_226 : i32 to index
        %swap3A_250 = arith.constant 32 : index
        %swap3A_251 = tpu.vector_load %arg9[%swap3A_249, %swap3A_250] {strides = array<i32>} : memref<128x64xf32, #tpu.memory_space<vmem>>, vector<1x16xf32>,
        %swap3A_252 = vector.shape_cast %swap3A_251 : vector<1x16xf32> to vector<16xf32>
        %swap3A_253 = vector.shape_cast %get3A_248 : vector<16xf32> to vector<1x16xf32>
        tpu.vector_store %arg9[%swap3A_249, %swap3A_250], %swap3A_253 {strides = array<i32>} : memref<128x64xf32, #tpu.memory_space<vmem>>, vector<1x16xf32>,
        %get3A_254 = arith.index_cast %add3A_226 : i32 to index
        %get3A_255 = arith.constant 48 : index
        %get3A_256 = tpu.vector_load %arg7[%get3A_254, %get3A_255] {strides = array<i32>} : memref<128x128xf32, #tpu.memory_space<vmem>>, vector<1x16xf32>,
        %get3A_257 = vector.shape_cast %get3A_256 : vector<1x16xf32> to vector<16xf32>
        %swap3A_258 = arith.index_cast %add3A_226 : i32 to index
        %swap3A_259 = arith.constant 48 : index
        %swap3A_260 = tpu.vector_load %arg9[%swap3A_258, %swap3A_259] {strides = array<i32>} : memref<128x64xf32, #tpu.memory_space<vmem>>, vector<1x16xf32>,
        %swap3A_261 = vector.shape_cast %swap3A_260 : vector<1x16xf32> to vector<16xf32>
        %swap3A_262 = vector.shape_cast %get3A_257 : vector<16xf32> to vector<1x16xf32>
        tpu.vector_store %arg9[%swap3A_258, %swap3A_259], %swap3A_262 {strides = array<i32>} : memref<128x64xf32, #tpu.memory_space<vmem>>, vector<1x16xf32>,
      }
      %scan3A_83 = arith.constant 128 : i32
      %add3A_84 = arith.constant 2 : i32
      %add3A_85 = arith.addi %add3A_66, %add3A_84 : i32
      %lt3A_86 = arith.constant 200 : i32
      %lt3A_87 = arith.cmpi slt, %add3A_85, %lt3A_86 : i32
      %convert_element_type3A_88 = arith.extui %lt3A_87 : i1 to i32
      %cond3A_89 = arith.constant 0 : i32
      %cond3A_90 = arith.cmpi ne, %convert_element_type3A_88, %cond3A_89 : i32
      scf.if %cond3A_90 {
        %add3A_98 = arith.constant 2 : i32
        %add3A_99 = arith.addi %add3A_66, %add3A_98 : i32
        %dma_start3A_100 = arith.constant 0 : i32
        %dma_start3A_101 = tpu.memref_slice %arg5[%add3A_99, %dma_start3A_100] : memref<200x128xi32, #tpu.memory_space<vmem>> -> memref<1x128xi32, #tpu.memory_space<vmem>>
        %dma_start3A_102 = tpu.memref_squeeze %dma_start3A_101 : memref<1x128xi32, #tpu.memory_space<vmem>> -> memref<128xi32, #tpu.memory_space<vmem>>
        %dma_start3A_103 = arith.constant 0 : i32
        %dma_start3A_104 = arith.constant 0 : i32
        %dma_start3A_105 = tpu.memref_slice %arg3[%dma_start3A_103, %dma_start3A_104] : memref<1000000x128xf32, #tpu.memory_space<hbm>> -> memref<1000000x128xf32, #tpu.memory_space<hbm>>
        tpu.enqueue_indirect_dma source(%dma_start3A_105 : memref<1000000x128xf32, #tpu.memory_space<hbm>>) target(%arg7 : memref<128x128xf32, #tpu.memory_space<vmem>>) offsets(%dma_start3A_102 : memref<128xi32, #tpu.memory_space<vmem>>) semaphore(%arg11 : memref<!tpu.dma_semaphore, #tpu.memory_space<semaphore_mem>>)
      } else {
      }
      %mul3A_91 = arith.constant 128 : i32
      %mul3A_92 = arith.muli %add3A_66, %mul3A_91 : i32
      %add3A_93 = arith.addi %mul3A_6, %mul3A_92 : i32
      %dma_start3A_94 = arith.constant 0 : i32
      %dma_start3A_95 = tpu.memref_slice %arg4[%add3A_93, %dma_start3A_94] : memref<819200x64xf32, #tpu.memory_space<hbm>> -> memref<128x64xf32, #tpu.memory_space<hbm>>
      %dma_start3A_96 = arith.constant 0 : i32
      %dma_start3A_97 = tpu.memref_slice %arg4[%add3A_93, %dma_start3A_96] : memref<819200x64xf32, #tpu.memory_space<hbm>> -> memref<128x64xf32, #tpu.memory_space<hbm>>
      tpu.enqueue_dma source(%arg9 : memref<128x64xf32, #tpu.memory_space<vmem>>) target(%dma_start3A_97 : memref<128x64xf32, #tpu.memory_space<hbm>>) target_semaphore(%arg13 : memref<!tpu.dma_semaphore, #tpu.memory_space<semaphore_mem>>)
    }
    %scan3A_23 = arith.constant 100 : i32
    %dma_wait3A = arith.constant 0 : i32
    %dma_wait3A_24 = tpu.memref_slice %arg4[%mul3A_6, %dma_wait3A] : memref<819200x64xf32, #tpu.memory_space<hbm>> -> memref<128x64xf32, #tpu.memory_space<hbm>>
    %dma_wait3A_25 = arith.constant 0 : i32
    %dma_wait3A_26 = tpu.memref_slice %arg4[%mul3A_6, %dma_wait3A_25] : memref<819200x64xf32, #tpu.memory_space<hbm>> -> memref<128x64xf32, #tpu.memory_space<hbm>>
    tpu.wait_dma2 semaphore(%arg12 : memref<!tpu.dma_semaphore, #tpu.memory_space<semaphore_mem>>) src(%arg8 : memref<128x64xf32, #tpu.memory_space<vmem>>) dst(%dma_wait3A_26 : memref<128x64xf32, #tpu.memory_space<hbm>>)
    %dma_wait3A_27 = arith.constant 0 : i32
    %dma_wait3A_28 = tpu.memref_slice %arg4[%mul3A_6, %dma_wait3A_27] : memref<819200x64xf32, #tpu.memory_space<hbm>> -> memref<128x64xf32, #tpu.memory_space<hbm>>
    %dma_wait3A_29 = arith.constant 0 : i32
    %dma_wait3A_30 = tpu.memref_slice %arg4[%mul3A_6, %dma_wait3A_29] : memref<819200x64xf32, #tpu.memory_space<hbm>> -> memref<128x64xf32, #tpu.memory_space<hbm>>
    tpu.wait_dma2 semaphore(%arg13 : memref<!tpu.dma_semaphore, #tpu.memory_space<semaphore_mem>>) src(%arg9 : memref<128x64xf32, #tpu.memory_space<vmem>>) dst(%dma_wait3A_30 : memref<128x64xf32, #tpu.memory_space<hbm>>)
    return
  }
}

</mosaic_0001>

<sc_bundles>
// kernel: kernel.3.cloned.1.call-start
scs
__scs_entry_jumppad:
0x0: {  	(pc) =	sbr.rel $0x88, $3  }
0x1: {  	(tag) =	ssettag $0x0;
	lr =	simm.s32 $0x1  }
0x2: {  	[smem:$0x3F9E] =	sst lr;
	_ =	strace $0xD0000000  }
0x3: {  	_ = 	snop  }
0x4: {  	_ = 	snop  }
0x5: {  	_ = 	snop  }
0x6: {  	_ = 	snop  }
0x7: {  	_ = 	snop  }
__scs_overlays_trampoline_lowered:
0x8: {  	[smem:$0x3FAD] =	sst s0  }
0x9: {  	[smem:$0x3FAE] =	sst s1  }
0xa: {  	[smem:$0x3FAF] =	sst s2  }
0xb: {  	[smem:$0x3FB0] =	sst s3  }
0xc: {  	[smem:$0x3FB1] =	sst s4  }
0xd: {  	[smem:$0x3FB2] =	sst s5  }
0xe: {  	[smem:$0x3FB3] =	sst s6  }
0xf: {  	[smem:$0x3FB4] =	sst s7  }
0x10: {  	[smem:$0x3FB5] =	sst s8  }
0x11: {  	[smem:$0x3FB6] =	sst s9;
	s0 =	simm.s32 @!p0 $0x0  }
0x12: {  	s1 =	sld [smem:$0x3F9C];
	s0 =	simm.s32 @p0 $0x1  }
0x13: {  	[smem:$0x3FB7] =	sst s0;
	s0 =	simm.s32 @!p1 $0x0  }
0x14: {  	s2 =	sld [smem:$0x3F9B];
	s0 =	simm.s32 @p1 $0x1  }
0x15: {  	[smem:$0x3FB8] =	sst s0;
	s0 =	simm.s32 @!p2 $0x0  }
0x16: {  	s3 =	sld [smem:$0x3FDB];
	s0 =	simm.s32 @p2 $0x1  }
0x17: {  	s4 =	simm.s32 $0x1BF5;
	[smem:$0x3FBA] =	sst s0  }
0x18: {  	s0 =	sld [smem:$0x3F9D];
	_ =	swait.ge [sflag:s4], $0x0  }
0x19: {  	s7 =	sld [smem:$0x3F9E]  }
0x1a: {  	s8 =	sadd.s32 $0xFFFFE003, lr  }
0x1b: {  	s9 =	sadd.s32 $0xFFFFFEF7, lr;
	s5 =	simm.s32 $0xFFFFFFFF;
	p2 =	slt.u32 s8, $0xFFFFF086  }
0x1c: {  	p1 =	slt.u32 s9, $0xF7A;
	s5 =	simm.s32 @!p2 $0x0  }
0x1d: {  	s5 =	simm.s32 @p1 $0x1;
	p0 =	seq.s32 s7, s2  }
0x1e: {  	s7 =	smul.u32 @!p0 $0xF7A, s2;
	p2 =	seq.s32 @!p0 s5, $0x0  }
0x1f: {  	s9 =	smul.u32 $0xF7A, s1;
	s8 =	simm.s32 @!p0 $0x1BF5;
	p2 =	por !p2, p0  }
0x20: {  	[sflag:s8] =	ssyncset.s32 @!p0 $0xFFFFF086;
	s6 =	sadd.s32 @!p0 s3, s7;
	s7 =	simm.s32 @!p0 $0x108  }
0x21: {  	s3 =	sadd.s32 s3, s9;
	s6 =	sadd.s32 @!p0 $0x88, s6;
	s7 =	simm.s32 @p2 $0x1082  }
0x22: {  	[simem:s7], [sflag:s8] =	dma.local @!p0 [hbm:s6], $0xF7A  }
0x23: {  	s9 =	sor.u32 $0xD0000000, s2;
	s6 =	simm.s32 $0x108;
	_ =	swait.ge @!p0 [sflag:s8], $0x0  }
0x24: {  	s3 =	sadd.s32 $0x88, s3;
	s6 =	simm.s32 @!p1 $0x1082;
	[sflag:s4] =	ssyncset.s32 $0xFFFFF086  }
0x25: {  	[simem:s6], [sflag:s4] =	dma.local [hbm:s3], $0xF7A  }
0x26: {  	[smem:$0x3F9E] =	sst s1;
	(tag) =	ssettag s2;
	_ =	strace s9  }
0x27: {  	s1 =	sld [smem:$0x3FAE]  }
0x28: {  	s2 =	sld [smem:$0x3FAF]  }
0x29: {  	s4 =	sld [smem:$0x3FB1]  }
0x2a: {  	p0 =	seq.s32 s5, $0x0;
	s5 =	sld [smem:$0x3FB2]  }
0x2b: {  	s6 =	sld [smem:$0x3FB3]  }
0x2c: {  	s7 =	sld [smem:$0x3FB4]  }
0x2d: {  	s3 =	simm.s32 $0x108;
	s8 =	sld [smem:$0x3FB5]  }
0x2e: {  	s3 =	simm.s32 @!p0 $0x1082;
	s9 =	sld [smem:$0x3FB6]  }
0x2f: {  	lr =	sadd.s32 s0, s3;
	s0 =	sld [smem:$0x3FAD]  }
0x30: {  	s3 =	sld [smem:$0x3FB0]  }
0x31: {  	[smem:$0x3FB9] =	sst s10  }
0x32: {  	s10 =	sld [smem:$0x3FB7];
	_ =	sdelay $0x3  }
0x33: {  	p0 =	seq.s32 s10, $0x1;
	s10 =	sld [smem:$0x3FB9];
	_ =	sdelay $0x3  }
0x34: {  	[smem:$0x3FB9] =	sst s10  }
0x35: {  	s10 =	sld [smem:$0x3FB8];
	_ =	sdelay $0x3  }
0x36: {  	p1 =	seq.s32 s10, $0x1;
	s10 =	sld [smem:$0x3FB9];
	_ =	sdelay $0x3  }
0x37: {  	[smem:$0x3FB9] =	sst s10  }
0x38: {  	s10 =	sld [smem:$0x3FBA]  }
0x39: {  	_ = 	snop;
	(pc) =	sbr.ind lr, $3  }
0x3a: {  	_ = 	snop  }
0x3b: {  	_ = 	snop  }
0x3c: {  	p2 =	seq.s32 s10, $0x1;
	s10 =	sld [smem:$0x3FB9]  }
0x3d: {  	_ =	shalt  }
0x3e: {  	_ =	shalt  }
0x3f: {  	_ =	shalt  }
0x40: {  	_ =	shalt  }
0x41: {  	_ =	shalt  }
0x42: {  	_ =	shalt  }
0x43: {  	_ =	shalt  }
0x44: {  	_ =	shalt  }
0x45: {  	_ =	shalt  }
0x46: {  	_ =	shalt  }
0x47: {  	_ =	shalt  }
0x48: {  	_ =	shalt  }
0x49: {  	_ =	shalt  }
0x4a: {  	_ =	shalt  }
0x4b: {  	_ =	shalt  }
0x4c: {  	_ =	shalt  }
0x4d: {  	_ =	shalt  }
0x4e: {  	_ =	shalt  }
0x4f: {  	_ =	shalt  }
0x50: {  	_ =	shalt  }
0x51: {  	_ =	shalt  }
0x52: {  	_ =	shalt  }
0x53: {  	_ =	shalt  }
0x54: {  	_ =	shalt  }
0x55: {  	_ =	shalt  }
0x56: {  	_ =	shalt  }
0x57: {  	_ =	shalt  }
0x58: {  	_ =	shalt  }
0x59: {  	_ =	shalt  }
0x5a: {  	_ =	shalt  }
0x5b: {  	_ =	shalt  }
0x5c: {  	_ =	shalt  }
0x5d: {  	_ =	shalt  }
0x5e: {  	_ =	shalt  }
0x5f: {  	_ =	shalt  }
0x60: {  	_ =	shalt  }
0x61: {  	_ =	shalt  }
0x62: {  	_ =	shalt  }
0x63: {  	_ =	shalt  }
0x64: {  	_ =	shalt  }
0x65: {  	_ =	shalt  }
0x66: {  	_ =	shalt  }
0x67: {  	_ =	shalt  }
0x68: {  	_ =	shalt  }
0x69: {  	_ =	shalt  }
0x6a: {  	_ =	shalt  }
0x6b: {  	_ =	shalt  }
0x6c: {  	_ =	shalt  }
0x6d: {  	_ =	shalt  }
0x6e: {  	_ =	shalt  }
0x6f: {  	_ =	shalt  }
0x70: {  	_ =	shalt  }
0x71: {  	_ =	shalt  }
0x72: {  	_ =	shalt  }
0x73: {  	_ =	shalt  }
0x74: {  	_ =	shalt  }
0x75: {  	_ =	shalt  }
0x76: {  	_ =	shalt  }
0x77: {  	_ =	shalt  }
0x78: {  	_ =	shalt  }
0x79: {  	_ =	shalt  }
0x7a: {  	_ =	shalt  }
0x7b: {  	_ =	shalt  }
0x7c: {  	_ =	shalt  }
0x7d: {  	_ =	shalt  }
0x7e: {  	_ =	shalt  }
0x7f: {  	_ =	shalt  }
0x80: {  	_ =	shalt  }
0x81: {  	_ =	shalt  }
0x82: {  	_ =	shalt  }
0x83: {  	_ =	shalt  }
0x84: {  	_ =	shalt  }
0x85: {  	_ =	shalt  }
0x86: {  	_ =	shalt  }
0x87: {  	_ =	shalt  }
.Lfunc_end0:
.L_simem_size_0:
called_computation.2_lowered:
.L_overlay_start_0:
0x88: {  	s2 =	sld [smem:$0x3FD9]  }
0x89: {  	s3 =	sld [smem:$0x3FFE];
	_ =	sdelay $0x1  }
0x8a: {  	s1 =	srdreg.scid  }
0x8b: {  	s0 =	sand.u32 $0x1, s1  }
0x8c: {  	s17 =	sshll.u32 s0, $0xA;
	s2 =	sadd.s32 s3, s2  }
0x8d: {  	s2 =	sadd.s32 s2, s17  }
0x8e: {  	[smem:$0x3FC5] =	sst s2  }
0x8f: {  	_ = 	snop  }
0x90: {  	s2 =	sld [smem:$0x3FD0];
	(tm) =	ssettm $0x1  }
0x91: {  	s18 =	sld [smem:$0x3FFB];
	_ =	sdelay $0x3  }
0x92: {  	_ =	strace s18  }
0x93: {  	s3 =	sld [smem:$0x3FFC];
	_ =	sdelay $0x3  }
0x94: {  	_ =	strace s3  }
0x95: {  	s3 =	sld [smem:$0x3FFD];
	_ =	sdelay $0x3  }
0x96: {  	_ =	strace s3  }
0x97: {  	_ =	strace $0x8FFFFFFF  }
0x98: {  	s19 =	sld [smem:$0x3FDB];
	_ =	sdelay $0x1  }
0x99: {  	s4 =	simm.s32 $_scs_section_size  }
0x9a: {  	s5 =	simm.s32 $_size__tile_overlayer_lowered;
	s6 =	simm.s32 $_tile_overlayer_lowered  }
0x9b: {  	s22 =	simm.s32 $0x1BFF;
	s21 =	sshll.u32 s6, $0x1;
	s3 =	sadd.s32 s4, s19  }
0x9c: {  	s7 =	simm.s32 $0x0;
	s20 =	sshll.u32 s5, $0x1;
	s5 =	sadd.s32 s21, s3  }
0x9d: {  	[timem:s7], [sflag:s22] =	dma.local [hbm:s5], s20  }
0x9e: {  	_ =	swait.ge [sflag:s22], s20  }
0x9f: {  	s4 =	ssub.s32 $0x0, s20;
	[sflag:s22] =	ssyncset.done $0x0  }
0xa0: {  	[sflag:s22] =	ssyncadd.s32 s4;
	_ =	sdelay $0x1  }
0xa1: {  	s23 =	simm.s32 $0x1B8B  }
0xa2: {  	_ =	swait.ge [sflag:s23], $0x1  }
0xa3: {  	[sflag:s23] =	ssyncset.done $0x0  }
0xa4: {  	s25 =	simm.s32 $0x1B8E;
	s24 =	sld [smem:$0x3FFE];
	[sflag:s23] =	ssyncadd.s32 $0xFFFFFFFF  }
0xa5: {  	s26 =	simm.s32 $execute0_lowered;
	[smem:$0x3FD2] =	sst s25  }
0xa6: {  	s5 =	sshll.u32 s26, $0x1;
	_ =	strace $0x80000049;
	[dreg:$0x1] =	wrdreg $0xFFFFFFFF  }
0xa7: {  	s28 =	simm.s32 $_size_execute0_lowered;
	s3 =	sadd.s32 s3, s5;
	[dreg:$0x0] =	wrdreg $0x0  }
0xa8: {  	s5 =	sshll.u32 s28, $0x1;
	[dreg:$0x2] =	wrdreg s3  }
0xa9: {  	[dreg:$0x3] =	wrdreg s5  }
0xaa: {  	[dreg:$0x4] =	wrdreg $0xC0  }
0xab: {  	_ =	task [dreg:s7], $0x5FFFF  }
0xac: {  	[dreg:$0x1] =	wrdreg $0xFFFFFFFF  }
0xad: {  	[dreg:$0x0] =	wrdreg $0x60  }
0xae: {  	[dreg:$0x2] =	wrdreg s2  }
0xaf: {  	[dreg:$0x3] =	wrdreg s24  }
0xb0: {  	[dreg:$0x4] =	wrdreg $0x9  }
0xb1: {  	_ =	task.clear_ibuf [dreg:s7], $0x5FFFF;
	_ =	strace $0x90000049  }
0xb2: {  	s29 =	simm.s32 $0x9;
	_ =	strace $0x8000004B  }
0xb3: {  	_ =	swait.ge [sflag:s29], $0x1  }
0xb4: {  	[sflag:s29] =	ssyncadd.s32 $0xFFFFFFFF  }
0xb5: {  	_ =	strace $0x9000004B  }
0xb6: {  	_ =	sfence  }
0xb7: {  	s30 =	sld [smem:$0x0];
	_ =	sdelay $0x2  }
0xb8: {  	s31 =	sshll.u32 s1, $0xD;
	s1 =	sshrl.u32 s1, $0x2  }
0xb9: {  	s3 =	sand.u32 $0x4000, s31;
	s1 =	sadd.s32 s1, s30  }
0xba: {  	s0 =	sor.u32 s3, s0;
	s1 =	sshll.u32 s1, $0x11  }
0xbb: {  	s0 =	sor.u32 s1, s0  }
0xbc: {  	s0 =	sadd.s32 $0x8F2B, s0  }
0xbd: {  	[sflag:s0] =	ssyncadd.remote.s32 $0x1  }
0xbe: {  	_ =	sfence.sel $0xFFFF  }
0xbf: {  	[dreg:$0x0] =	wrdreg $0xFFFFFFFF;
	(pc) =	sbr.abs _section_cstart, $3  }
0xc0: {  	[dreg:$0x1] =	wrdreg $0xFFFFFFFF  }
0xc1: {  	_ =	task.clear_ibuf [dreg:s7], $0x2FFFF;
	_ =	strace $0x9FFFFFFF  }
0xc2: {  	(tm) =	ssettm $0x7FFFFFFF  }
0xc3: {  	_ =	shalt  }
tec
execute0_lowered:
.L_overlay_start_1:
0x0: {  	(tag) =	ssettag $0x1  }
0x1: {  	s5 =	rddreg [dreg:$0x0]  }
0x2: {  	s4 =	rddreg [dreg:$0x1]  }
0x3: {  	s0 =	rddreg [dreg:$0x2];
	s3 =	srdreg.scid  }
0x4: {  	s1 =	stileid.u32;
	s2 =	simm.s32 $0x0;
	s11 =	simm.s32 $0x6400  }
0x5: {  	s12 =	simm.s32 $0xA400;
	s13 =	simm.s32 $0x1;
	s14 =	simm.s32 $0xE400  }
0x6: {  	s15 =	simm.s32 $0x2;
	s16 =	simm.s32 $0x12400;
	s17 =	simm.s32 $0x3  }
0x7: {  	s18 =	simm.s32 $0x4;
	s3 =	sand.u32 $0x1, s3;
	s6 =	sshll.u32 s1, $0x1  }
0x8: {  	s19 =	simm.s32 $0x0;
	[smem:$0x7FF] =	sst s2;
	s6 =	sor.u32 s3, s6  }
0x9: {  	_ =	strace $0x8000004A;
	s7 =	ssub.s32 $0x2, s3;
	s8 =	smul.u32 $0xC80, s6  }
0xa: {  	s3 =	sadd.s32 $0x16E4600, s4;
	s9 =	sshrl.u32 s7, $0x1;
	s10 =	smul.u32 $0x64000, s6  }
0xb: {  	s4 =	sadd.s32 $0xE00, s4;
	s6 =	smul.u32 $0x320000, s6;
	s7 =	ssub.s32 s7, s9  }
0xc: {  	s9 =	simm.s32 $0x5;
	s5 =	sadd.s32 s5, s8;
	s31 =	sadd.s32 s10, s4  }
0xd: {  	s7 =	smax.u32 s7, $0x1;
	s10 =	simm.s32 $0x80;
	s8 =	sadd.s32 $0x800, s31  }
.LBB2_1:
0xe: {  	[tilespmem:s2], [sflag:$0x5] =	stream.linear.gather [hbm4b:s5+s2], $0x6400, $0x38;
	[tilespmem:$0x16400] =	vst v63  }
0xf: {  	_ =	swait.ge [sflag:s9], $0x6400  }
0x10: {  	[sflag:s9] =	ssyncset.done $0x0  }
0x11: {  	[sflag:s9] =	ssyncadd.s32 $0xFFFF9C00  }
0x12: {  	[tilespmem:s11], [sflag:$0x1] =	stream.indirect.gather [hbm4b:s3+s10], $0x80, s2, s10, $0xb8;
	[tilespmem:$0x16400] =	vst v63  }
0x13: {  	s20 =	simm.s32 $0x0  }
0x14: {  	[tilespmem:s12], [sflag:$0x2] =	stream.indirect.gather [hbm4b:s3+s10], $0x80, s10, s10, $0xb8;
	[tilespmem:$0x16400] =	vst v63  }
.LBB2_2:
0x15: {  	_ =	swait.ge [sflag:s13], $0x4000  }
0x16: {  	p0 =	seq.s32 s20, $0x0;
	[sflag:s13] =	ssyncset.done $0x0  }
0x17: {  	s21 =	simm.s32 @!p0 $0x3;
	[sflag:s13] =	ssyncadd.s32 $0xFFFFC000  }
0x18: {  	_ =	swait.ge @!p0 [sflag:s21], $0x4000  }
0x19: {  	[sflag:s21] =	ssyncset.done @!p0 $0x0  }
0x1a: {  	s22 =	simm.s32 $0x6500;
	[sflag:s21] =	ssyncadd.s32 @!p0 $0xFFFFC000  }
0x1b: {  	v0 =	vld [tilespmem:s22+$0xFFFFFF00];
	_ =	sdelay $0x3  }
0x1c: {  	s21 =	simm.s32 $0xE500  }
0x1d: {  	[tilespmem:s21+$0xFFFFFF00] =	vst v0  }
0x1e: {  	v0 =	vld [tilespmem:s22+$0xFFFFFF10];
	_ =	sdelay $0x4  }
0x1f: {  	[tilespmem:s21+$0xFFFFFF10] =	vst v0  }
0x20: {  	v0 =	vld [tilespmem:s22+$0xFFFFFF20];
	_ =	sdelay $0x4  }
0x21: {  	[tilespmem:s21+$0xFFFFFF20] =	vst v0  }
0x22: {  	v0 =	vld [tilespmem:s22+$0xFFFFFF30];
	_ =	sdelay $0x4  }
0x23: {  	[tilespmem:s21+$0xFFFFFF30] =	vst v0  }
0x24: {  	v0 =	vld [tilespmem:s22+$0xFFFFFF80];
	_ =	sdelay $0x4  }
0x25: {  	[tilespmem:s21+$0xFFFFFF80] =	vst v0  }
0x26: {  	v0 =	vld [tilespmem:s22+$0xFFFFFF90];
	_ =	sdelay $0x4  }
0x27: {  	[tilespmem:s21+$0xFFFFFF90] =	vst v0  }
0x28: {  	v0 =	vld [tilespmem:s22+$0xFFFFFFA0];
	_ =	sdelay $0x4  }
0x29: {  	[tilespmem:s21+$0xFFFFFFA0] =	vst v0  }
0x2a: {  	v0 =	vld [tilespmem:s22+$0xFFFFFFB0];
	_ =	sdelay $0x4  }
0x2b: {  	[tilespmem:s21+$0xFFFFFFB0] =	vst v0  }
0x2c: {  	v0 =	vld [tilespmem:s22+$0x0];
	_ =	sdelay $0x4  }
0x2d: {  	[tilespmem:s21+$0x0] =	vst v0  }
0x2e: {  	v0 =	vld [tilespmem:s22+$0x10];
	_ =	sdelay $0x4  }
0x2f: {  	[tilespmem:s21+$0x10] =	vst v0  }
0x30: {  	v0 =	vld [tilespmem:s22+$0x20];
	_ =	sdelay $0x4  }
0x31: {  	[tilespmem:s21+$0x20] =	vst v0  }
0x32: {  	v0 =	vld [tilespmem:s22+$0x30];
	_ =	sdelay $0x4  }
0x33: {  	[tilespmem:s21+$0x30] =	vst v0  }
0x34: {  	v0 =	vld [tilespmem:s22+$0x80];
	_ =	sdelay $0x4  }
0x35: {  	[tilespmem:s21+$0x80] =	vst v0  }
0x36: {  	v0 =	vld [tilespmem:s22+$0x90];
	_ =	sdelay $0x4  }
0x37: {  	[tilespmem:s21+$0x90] =	vst v0  }
0x38: {  	v0 =	vld [tilespmem:s22+$0xA0];
	_ =	sdelay $0x4  }
0x39: {  	[tilespmem:s21+$0xA0] =	vst v0  }
0x3a: {  	v0 =	vld [tilespmem:s22+$0xB0];
	_ =	sdelay $0x4  }
0x3b: {  	s23 =	simm.s32 $0x0;
	s24 =	simm.s32 $0x6700;
	s22 =	sshll.u32 s20, $0xA;
	[tilespmem:s21+$0xB0] =	vst v0  }
.LBB2_3:
0x3c: {  	v0 =	vld [tilespmem:s24+$0xFFFFFF00];
	s23 =	sadd.s32 $0x4, s23  }
0x3d: {  	p1 =	slt.u32 s23, $0x7C;
	_ =	sdelay $0x2  }
0x3e: {  	s21 =	sadd.s32 $0x200, s21  }
0x3f: {  	[tilespmem:s21+$0xFFFFFF00] =	vst v0  }
0x40: {  	v0 =	vld [tilespmem:s24+$0xFFFFFF10];
	_ =	sdelay $0x4  }
0x41: {  	[tilespmem:s21+$0xFFFFFF10] =	vst v0  }
0x42: {  	v0 =	vld [tilespmem:s24+$0xFFFFFF20];
	_ =	sdelay $0x4  }
0x43: {  	[tilespmem:s21+$0xFFFFFF20] =	vst v0  }
0x44: {  	v0 =	vld [tilespmem:s24+$0xFFFFFF30];
	_ =	sdelay $0x4  }
0x45: {  	[tilespmem:s21+$0xFFFFFF30] =	vst v0  }
0x46: {  	v0 =	vld [tilespmem:s24+$0xFFFFFF80];
	_ =	sdelay $0x4  }
0x47: {  	[tilespmem:s21+$0xFFFFFF80] =	vst v0  }
0x48: {  	v0 =	vld [tilespmem:s24+$0xFFFFFF90];
	_ =	sdelay $0x4  }
0x49: {  	[tilespmem:s21+$0xFFFFFF90] =	vst v0  }
0x4a: {  	v0 =	vld [tilespmem:s24+$0xFFFFFFA0];
	_ =	sdelay $0x4  }
0x4b: {  	[tilespmem:s21+$0xFFFFFFA0] =	vst v0  }
0x4c: {  	v0 =	vld [tilespmem:s24+$0xFFFFFFB0];
	_ =	sdelay $0x4  }
0x4d: {  	[tilespmem:s21+$0xFFFFFFB0] =	vst v0  }
0x4e: {  	v0 =	vld [tilespmem:s24+$0x0];
	_ =	sdelay $0x4  }
0x4f: {  	[tilespmem:s21+$0x0] =	vst v0  }
0x50: {  	v0 =	vld [tilespmem:s24+$0x10];
	_ =	sdelay $0x4  }
0x51: {  	[tilespmem:s21+$0x10] =	vst v0  }
0x52: {  	v0 =	vld [tilespmem:s24+$0x20];
	_ =	sdelay $0x4  }
0x53: {  	[tilespmem:s21+$0x20] =	vst v0  }
0x54: {  	v0 =	vld [tilespmem:s24+$0x30];
	_ =	sdelay $0x4  }
0x55: {  	[tilespmem:s21+$0x30] =	vst v0  }
0x56: {  	v0 =	vld [tilespmem:s24+$0x80];
	_ =	sdelay $0x4  }
0x57: {  	[tilespmem:s21+$0x80] =	vst v0  }
0x58: {  	v0 =	vld [tilespmem:s24+$0x90];
	_ =	sdelay $0x4  }
0x59: {  	[tilespmem:s21+$0x90] =	vst v0  }
0x5a: {  	v0 =	vld [tilespmem:s24+$0xA0];
	_ =	sdelay $0x4  }
0x5b: {  	[tilespmem:s21+$0xA0] =	vst v0  }
0x5c: {  	v0 =	vld [tilespmem:s24+$0xB0]  }
.Ltmp0:
0x5d: {  	(pc) =	sbr.rel @p1 .LBB2_3-.Ltmp0, $2  }
0x5e: {  	_ =	sdelay $0x2  }
0x5f: {  	s24 =	sadd.s32 $0x200, s24;
	[tilespmem:s21+$0xB0] =	vst v0  }
0x60: {  	p1 =	seq.s32 s20, $0x63  }
0x61: {  	s30 =	sshll.u32 s20, $0xF;
	s21 =	sshrl.u32 @!p1 s22, $0x2  }
0x62: {  	s23 =	simm.s32 @!p1 $0x80;
	s24 =	simm.s32 @!p1 $0x6400;
	s22 =	sadd.s32 @!p1 $0x100, s21  }
0x63: {  	[tilespmem:s24], [sflag:$0x1] =	stream.indirect.gather @!p1 [hbm4b:s3+s23], $0x80, s22, s23, $0xb8;
	[tilespmem:$0x16400] =	vst v63  }
0x64: {  	s22 =	sadd.s32 s6, s30  }
0x65: {  	s22 =	sshrl.u32 s22, $0x3  }
0x66: {  	s22 =	sadd.s32 s4, s22  }
0x67: {  	[hbm4b:s22+s2] =	stream.linear.scatter [tilespmem:s14], [sflag:$0x3], $0x4000, $0x38;
	[tilespmem:$0x16400] =	vst v63  }
0x68: {  	_ =	swait.ge [sflag:s15], $0x4000  }
0x69: {  	[sflag:s15] =	ssyncset.done $0x0  }
0x6a: {  	s22 =	simm.s32 @!p0 $0x4;
	[sflag:s15] =	ssyncadd.s32 $0xFFFFC000  }
0x6b: {  	_ =	swait.ge @!p0 [sflag:s22], $0x4000  }
0x6c: {  	[sflag:s22] =	ssyncset.done @!p0 $0x0  }
0x6d: {  	s31 =	simm.s32 $0xA500;
	[sflag:s22] =	ssyncadd.s32 @!p0 $0xFFFFC000  }
0x6e: {  	v0 =	vld [tilespmem:s31+$0xFFFFFF00];
	_ =	sdelay $0x3  }
0x6f: {  	s22 =	simm.s32 $0x12500  }
0x70: {  	[tilespmem:s22+$0xFFFFFF00] =	vst v0  }
0x71: {  	v0 =	vld [tilespmem:s31+$0xFFFFFF10];
	_ =	sdelay $0x4  }
0x72: {  	[tilespmem:s22+$0xFFFFFF10] =	vst v0  }
0x73: {  	v0 =	vld [tilespmem:s31+$0xFFFFFF20];
	_ =	sdelay $0x4  }
0x74: {  	[tilespmem:s22+$0xFFFFFF20] =	vst v0  }
0x75: {  	v0 =	vld [tilespmem:s31+$0xFFFFFF30];
	_ =	sdelay $0x4  }
0x76: {  	[tilespmem:s22+$0xFFFFFF30] =	vst v0  }
0x77: {  	v0 =	vld [tilespmem:s31+$0xFFFFFF80];
	_ =	sdelay $0x4  }
0x78: {  	[tilespmem:s22+$0xFFFFFF80] =	vst v0  }
0x79: {  	v0 =	vld [tilespmem:s31+$0xFFFFFF90];
	_ =	sdelay $0x4  }
0x7a: {  	[tilespmem:s22+$0xFFFFFF90] =	vst v0  }
0x7b: {  	v0 =	vld [tilespmem:s31+$0xFFFFFFA0];
	_ =	sdelay $0x4  }
0x7c: {  	[tilespmem:s22+$0xFFFFFFA0] =	vst v0  }
0x7d: {  	v0 =	vld [tilespmem:s31+$0xFFFFFFB0];
	_ =	sdelay $0x4  }
0x7e: {  	[tilespmem:s22+$0xFFFFFFB0] =	vst v0  }
0x7f: {  	v0 =	vld [tilespmem:s31+$0x0];
	_ =	sdelay $0x4  }
0x80: {  	[tilespmem:s22+$0x0] =	vst v0  }
0x81: {  	v0 =	vld [tilespmem:s31+$0x10];
	_ =	sdelay $0x4  }
0x82: {  	[tilespmem:s22+$0x10] =	vst v0  }
0x83: {  	v0 =	vld [tilespmem:s31+$0x20];
	_ =	sdelay $0x4  }
0x84: {  	[tilespmem:s22+$0x20] =	vst v0  }
0x85: {  	v0 =	vld [tilespmem:s31+$0x30];
	_ =	sdelay $0x4  }
0x86: {  	[tilespmem:s22+$0x30] =	vst v0  }
0x87: {  	v0 =	vld [tilespmem:s31+$0x80];
	_ =	sdelay $0x4  }
0x88: {  	[tilespmem:s22+$0x80] =	vst v0  }
0x89: {  	v0 =	vld [tilespmem:s31+$0x90];
	_ =	sdelay $0x4  }
0x8a: {  	[tilespmem:s22+$0x90] =	vst v0  }
0x8b: {  	v0 =	vld [tilespmem:s31+$0xA0];
	_ =	sdelay $0x4  }
0x8c: {  	[tilespmem:s22+$0xA0] =	vst v0  }
0x8d: {  	v0 =	vld [tilespmem:s31+$0xB0];
	_ =	sdelay $0x4  }
0x8e: {  	s23 =	simm.s32 $0x0;
	s24 =	simm.s32 $0xA700;
	[tilespmem:s22+$0xB0] =	vst v0  }
.LBB2_5:
0x8f: {  	v0 =	vld [tilespmem:s24+$0xFFFFFF00];
	s23 =	sadd.s32 $0x4, s23  }
0x90: {  	p0 =	slt.u32 s23, $0x7C;
	_ =	sdelay $0x2  }
0x91: {  	s22 =	sadd.s32 $0x200, s22  }
0x92: {  	[tilespmem:s22+$0xFFFFFF00] =	vst v0  }
0x93: {  	v0 =	vld [tilespmem:s24+$0xFFFFFF10];
	_ =	sdelay $0x4  }
0x94: {  	[tilespmem:s22+$0xFFFFFF10] =	vst v0  }
0x95: {  	v0 =	vld [tilespmem:s24+$0xFFFFFF20];
	_ =	sdelay $0x4  }
0x96: {  	[tilespmem:s22+$0xFFFFFF20] =	vst v0  }
0x97: {  	v0 =	vld [tilespmem:s24+$0xFFFFFF30];
	_ =	sdelay $0x4  }
0x98: {  	[tilespmem:s22+$0xFFFFFF30] =	vst v0  }
0x99: {  	v0 =	vld [tilespmem:s24+$0xFFFFFF80];
	_ =	sdelay $0x4  }
0x9a: {  	[tilespmem:s22+$0xFFFFFF80] =	vst v0  }
0x9b: {  	v0 =	vld [tilespmem:s24+$0xFFFFFF90];
	_ =	sdelay $0x4  }
0x9c: {  	[tilespmem:s22+$0xFFFFFF90] =	vst v0  }
0x9d: {  	v0 =	vld [tilespmem:s24+$0xFFFFFFA0];
	_ =	sdelay $0x4  }
0x9e: {  	[tilespmem:s22+$0xFFFFFFA0] =	vst v0  }
0x9f: {  	v0 =	vld [tilespmem:s24+$0xFFFFFFB0];
	_ =	sdelay $0x4  }
0xa0: {  	[tilespmem:s22+$0xFFFFFFB0] =	vst v0  }
0xa1: {  	v0 =	vld [tilespmem:s24+$0x0];
	_ =	sdelay $0x4  }
0xa2: {  	[tilespmem:s22+$0x0] =	vst v0  }
0xa3: {  	v0 =	vld [tilespmem:s24+$0x10];
	_ =	sdelay $0x4  }
0xa4: {  	[tilespmem:s22+$0x10] =	vst v0  }
0xa5: {  	v0 =	vld [tilespmem:s24+$0x20];
	_ =	sdelay $0x4  }
0xa6: {  	[tilespmem:s22+$0x20] =	vst v0  }
0xa7: {  	v0 =	vld [tilespmem:s24+$0x30];
	_ =	sdelay $0x4  }
0xa8: {  	[tilespmem:s22+$0x30] =	vst v0  }
0xa9: {  	v0 =	vld [tilespmem:s24+$0x80];
	_ =	sdelay $0x4  }
0xaa: {  	[tilespmem:s22+$0x80] =	vst v0  }
0xab: {  	v0 =	vld [tilespmem:s24+$0x90];
	_ =	sdelay $0x4  }
0xac: {  	[tilespmem:s22+$0x90] =	vst v0  }
0xad: {  	v0 =	vld [tilespmem:s24+$0xA0];
	_ =	sdelay $0x4  }
0xae: {  	[tilespmem:s22+$0xA0] =	vst v0  }
0xaf: {  	v0 =	vld [tilespmem:s24+$0xB0]  }
.Ltmp1:
0xb0: {  	(pc) =	sbr.rel @p0 .LBB2_5-.Ltmp1, $2  }
0xb1: {  	_ =	sdelay $0x2  }
0xb2: {  	s24 =	sadd.s32 $0x200, s24;
	[tilespmem:s22+$0xB0] =	vst v0  }
0xb3: {  	s31 =	sshll.u32 s20, $0xC;
	s20 =	sadd.s32 $0x1, s20  }
0xb4: {  	p0 =	sne.s32 s20, $0x64  }
.Ltmp2:
0xb5: {  	_ = 	snop;
	(pc) =	sbr.rel @p0 .LBB2_2-.Ltmp2, $4  }
0xb6: {  	s21 =	sadd.s32 @!p1 $0x180, s21;
	s22 =	simm.s32 @!p1 $0x80;
	s23 =	simm.s32 @!p1 $0xA400  }
0xb7: {  	[tilespmem:s23], [sflag:$0x2] =	stream.indirect.gather @!p1 [hbm4b:s3+s22], $0x80, s21, s22, $0xb8;
	[tilespmem:$0x16400] =	vst v63  }
0xb8: {  	s21 =	sadd.s32 s8, s31  }
0xb9: {  	[hbm4b:s21+s2] =	stream.linear.scatter [tilespmem:s16], [sflag:$0x4], $0x4000, $0x38;
	[tilespmem:$0x16400] =	vst v63  }
0xba: {  	s19 =	sadd.s32 $0x1, s19  }
0xbb: {  	_ =	swait.ge [sflag:s17], $0x4000;
	p0 =	sne.s32 s19, s7  }
.Ltmp3:
0xbc: {  	[sflag:s17] =	ssyncset.done $0x0;
	(pc) =	sbr.rel @p0 .LBB2_1-.Ltmp3, $4  }
0xbd: {  	[sflag:s17] =	ssyncadd.s32 $0xFFFFC000  }
0xbe: {  	_ =	swait.ge [sflag:s18], $0x4000  }
0xbf: {  	[sflag:s18] =	ssyncset.done $0x0  }
0xc0: {  	[sflag:s18] =	ssyncadd.s32 $0xFFFFC000  }
0xc1: {  	_ =	sfence.sel $0x180000  }
0xc2: {  	[bflag:$0x0] =	sbarrier.arrive $0xFFFF  }
0xc3: {  	p0 =	sne.s32 s1, $0x0;
	_ =	strace $0x9000004A  }
0xc4: {  	s0 =	sadd.s32 @!p0 $0x100000, s0;
	[bflag:$0x2] =	sbarrier.arrive $0xFFFF  }
0xc5: {  	[sflag:s0] =	ssyncadd.tile.s32 @!p0 $0x1;
	_ =	shalt  }
.Lfunc_end2:
_tile_overlayer_lowered:
.L_overlay_start_2:
0xc6: {  	(tag) =	ssettag $0x2  }
0xc7: {  	s0 =	rddreg [dreg:$0x0];
	s2 =	stileid.u32  }
0xc8: {  	s1 =	rddreg [dreg:$0x1];
	p0 =	sne.s32 s2, $0x0  }
0xc9: {  	s3 =	rddreg [dreg:$0x2];
	[bflag:$0x3] =	sbarrier.arrive $0xFFFF;
	s2 =	simm.s32 @!p0 $0x1C05  }
0xca: {  	[timem:s3], [sflag:s2] =	dma.local @!p0 [hbm:s0], s1  }
0xcb: {  	s0 =	simm.s32 @!p0 $0x5  }
0xcc: {  	_ =	swait.ge @!p0 [sflag:s0], s1  }
0xcd: {  	s1 =	ssub.s32 @!p0 $0x0, s1;
	[sflag:s0] =	ssyncset.done @!p0 $0x0  }
0xce: {  	[sflag:s0] =	ssyncadd.s32 @!p0 s1  }
0xcf: {  	[bflag:$0x3] =	sbarrier.arrive $0xFFFF  }
0xd0: {  	_ =	shalt  }

// kernel: sparse-core-data-format-call.1.cloned.1.call-start
scs
called_computation.1_lowered:
.L_overlay_start_0:
0x0: {  	s1 =	sld [smem:$0x3FD9]  }
0x1: {  	s2 =	sld [smem:$0x3FFE];
	_ =	sdelay $0x1  }
0x2: {  	s3 =	srdreg.scid  }
0x3: {  	s0 =	sand.u32 $0x1, s3  }
0x4: {  	s17 =	sshll.u32 s0, $0xA;
	s1 =	sadd.s32 s2, s1  }
0x5: {  	s1 =	sadd.s32 s1, s17  }
0x6: {  	[smem:$0x3FC5] =	sst s1  }
0x7: {  	_ = 	snop  }
0x8: {  	(tm) =	ssettm $0x1  }
0x9: {  	s18 =	sld [smem:$0x3FFB];
	_ =	sdelay $0x3  }
0xa: {  	_ =	strace s18  }
0xb: {  	s1 =	sld [smem:$0x3FFC];
	_ =	sdelay $0x3  }
0xc: {  	_ =	strace s1  }
0xd: {  	s1 =	sld [smem:$0x3FFD];
	_ =	sdelay $0x3  }
0xe: {  	_ =	strace s1  }
0xf: {  	_ =	strace $0x8FFFFFFF  }
0x10: {  	s19 =	sld [smem:$0x3FDB];
	_ =	sdelay $0x1  }
0x11: {  	s20 =	simm.s32 $_scs_section_size  }
0x12: {  	s4 =	simm.s32 $_size__tile_overlayer_lowered;
	s5 =	simm.s32 $_tile_overlayer_lowered  }
0x13: {  	s23 =	simm.s32 $0x1BFF;
	s22 =	sshll.u32 s5, $0x1;
	s1 =	sadd.s32 s20, s19  }
0x14: {  	s6 =	simm.s32 $0x0;
	s21 =	sshll.u32 s4, $0x1;
	s4 =	sadd.s32 s22, s1  }
0x15: {  	[timem:s6], [sflag:s23] =	dma.local [hbm:s4], s21  }
0x16: {  	_ =	swait.ge [sflag:s23], s21  }
0x17: {  	s2 =	ssub.s32 $0x0, s21;
	[sflag:s23] =	ssyncset.done $0x0  }
0x18: {  	[sflag:s23] =	ssyncadd.s32 s2;
	_ =	sdelay $0x1  }
0x19: {  	s24 =	simm.s32 $0x1B8B  }
0x1a: {  	_ =	swait.ge [sflag:s24], $0x1  }
0x1b: {  	[sflag:s24] =	ssyncset.done $0x0  }
0x1c: {  	s26 =	simm.s32 $0x1B8E;
	s25 =	sld [smem:$0x3FFE];
	[sflag:s24] =	ssyncadd.s32 $0xFFFFFFFF  }
0x1d: {  	s27 =	simm.s32 $execute0_lowered;
	[smem:$0x3FD2] =	sst s26  }
0x1e: {  	s4 =	sshll.u32 s27, $0x1;
	_ =	strace $0x80000046;
	[dreg:$0x1] =	wrdreg $0xFFFFFFFF  }
0x1f: {  	s28 =	simm.s32 $_size_execute0_lowered;
	s1 =	sadd.s32 s1, s4;
	[dreg:$0x0] =	wrdreg $0x0  }
0x20: {  	s4 =	sshll.u32 s28, $0x1;
	[dreg:$0x2] =	wrdreg s1  }
0x21: {  	[dreg:$0x3] =	wrdreg s4  }
0x22: {  	[dreg:$0x4] =	wrdreg $0xC0  }
0x23: {  	_ =	task [dreg:s6], $0x5FFFF  }
0x24: {  	[dreg:$0x1] =	wrdreg $0xFFFFFFFF  }
0x25: {  	[dreg:$0x0] =	wrdreg $0x60  }
0x26: {  	[dreg:$0x2] =	wrdreg s25  }
0x27: {  	[dreg:$0x3] =	wrdreg $0x9  }
0x28: {  	_ =	task.clear_ibuf [dreg:s6], $0x4FFFF;
	_ =	strace $0x90000046  }
0x29: {  	s29 =	simm.s32 $0x9;
	_ =	strace $0x80000048  }
0x2a: {  	_ =	swait.ge [sflag:s29], $0x1  }
0x2b: {  	[sflag:s29] =	ssyncadd.s32 $0xFFFFFFFF  }
0x2c: {  	_ =	strace $0x90000048  }
0x2d: {  	_ =	sfence  }
0x2e: {  	s30 =	sld [smem:$0x0];
	_ =	sdelay $0x2  }
0x2f: {  	s31 =	sshll.u32 s3, $0xD;
	s3 =	sshrl.u32 s3, $0x2  }
0x30: {  	s2 =	sand.u32 $0x4000, s31;
	s1 =	sadd.s32 s3, s30  }
0x31: {  	s0 =	sor.u32 s2, s0;
	s1 =	sshll.u32 s1, $0x11  }
0x32: {  	s0 =	sor.u32 s1, s0  }
0x33: {  	s0 =	sadd.s32 $0x8F2B, s0  }
0x34: {  	[sflag:s0] =	ssyncadd.remote.s32 $0x1  }
0x35: {  	_ =	sfence.sel $0xFFFF  }
0x36: {  	[dreg:$0x0] =	wrdreg $0xFFFFFFFF;
	(pc) =	sbr.abs _section_cstart, $3  }
0x37: {  	[dreg:$0x1] =	wrdreg $0xFFFFFFFF  }
0x38: {  	_ =	task.clear_ibuf [dreg:s6], $0x2FFFF;
	_ =	strace $0x9FFFFFFF  }
0x39: {  	(tm) =	ssettm $0x7FFFFFFF  }
tec
execute0_lowered:
.L_overlay_start_1:
0x0: {  	(tag) =	ssettag $0x1  }
0x1: {  	s0 =	srdreg.scid  }
0x2: {  	s5 =	rddreg [dreg:$0x0];
	s1 =	stileid.u32;
	s4 =	simm.s32 $0x1  }
0x3: {  	s6 =	simm.s32 $0x2;
	s15 =	simm.s32 $0x0;
	p0 =	por $0x0, $0x0  }
0x4: {  	s8 =	simm.s32 $0x80;
	s14 =	simm.s32 $0x0;
	s2 =	sshll.u32 s0, $0x4  }
0x5: {  	s9 =	simm.s32 $0x0;
	s10 =	simm.s32 $0x0;
	s2 =	sand.u32 $0x10, s2  }
.Ltmp0:
0x6: {  	s12 =	simm.s32 $0x0;
	s3 =	sor.u32 s1, s2;
	(pc) =	sbr.rel .LBB1_1-.Ltmp0, $4  }
0x7: {  	s0 =	rddreg [dreg:$0x1];
	_ =	strace $0x80000047;
	s3 =	sshll.u32 s3, $0x7  }
0x8: {  	s13 =	simm.s32 $0x0;
	[sflag:s4] =	ssyncpa.u1 $0x0;
	s7 =	ssub.s32 $0xF4200, s3  }
0x9: {  	s2 =	sadd.s32 $0xE00, s5;
	[sflag:s6] =	ssyncpa.u1 $0x0;
	s6 =	sshrl.u32 s7, $0xC  }
0xa: {  	s5 =	sadd.s32 $0x7A2200, s5;
	s11 =	smov.u32 s3;
	s7 =	sadd.s32 $0x2, s6  }
.LBB1_5:
0xb: {  	p1 =	slt.u32 s13, $0x2  }
0xc: {  	s17 =	smov.u32 s15;
	p2 =	sgt.s32 @!p1 s15, $0xF41C0;
	s16 =	sshra.s32 @!p1 s15, $0x1F  }
0xd: {  	p3 =	sgt.s32 @!p1 s14, $0x40;
	s18 =	sshra.s32 @!p1 s14, $0x1F;
	p2 =	por !p2, p1  }
0xe: {  	s15 =	sand.u32 @!p1 s16, s15;
	p3 =	por !p3, p1;
	s16 =	smov.u32 s14  }
0xf: {  	s14 =	sand.u32 @!p1 s18, s14;
	s17 =	simm.s32 @p2 $0xF41C0;
	s16 =	simm.s32 @p3 $0x40  }
0x10: {  	s15 =	ssub.s32 @!p1 s17, s15;
	s14 =	ssub.s32 @!p1 s16, s14  }
0x11: {  	s18 =	smov.u32 s12;
	s16 =	sadd.s32 @!p1 $0xFFF0BE40, s15;
	s17 =	sadd.s32 @!p1 $0xFFFFFFC0, s14  }
0x12: {  	s15 =	ssub.s32 @!p1 $0xF4240, s15;
	p2 =	sgt.s32 @!p1 s16, $0x7F;
	p3 =	sgt.s32 @!p1 s17, $0x3F  }
0x13: {  	s14 =	ssub.s32 @!p1 $0x80, s14;
	p2 =	por !p2, p1;
	p3 =	por !p3, p1  }
0x14: {  	s16 =	sadd.s32 $0x1000, s11;
	s15 =	simm.s32 @!p2 $0x0;
	s14 =	simm.s32 @!p3 $0x0  }
0x15: {  	p2 =	sgt.s32 s16, $0xF423F;
	s14 =	smul.u32 @!p1 s14, s15;
	s15 =	sadd.s32 $0x40, s12  }
0x16: {  	s18 =	smov.u32 @p2 s15  }
0x17: {  	s16 =	smov.u32 @p2 s3;
	p2 =	sgt.s32 s18, $0x3F  }
0x18: {  	s18 =	simm.s32 @p2 $0x0;
	p2 =	sne.s32 s13, s7  }
.Ltmp1:
0x19: {  	p0 =	por !p0, !p0;
	s17 =	simm.s32 @!p1 $0x2;
	(pc) =	sbr.rel @!p2 .LBB1_6-.Ltmp1, $4  }
0x1a: {  	s15 =	smov.u32 s9;
	s9 =	smov.u32 s11;
	s14 =	sand.u32 @!p1 $0x3FFFFFFF, s14  }
0x1b: {  	s11 =	smov.u32 s16;
	_ =	swait.ge @!p1 [sflag:s17], s14;
	s19 =	ssub.s32 @!p1 $0x0, s14  }
0x1c: {  	s14 =	smov.u32 s10;
	s13 =	sadd.s32 $0x1, s13;
	[sflag:s17] =	ssyncset.done @!p1 $0x0  }
0x1d: {  	s10 =	smov.u32 s12;
	s12 =	smov.u32 s18;
	[sflag:s17] =	ssyncadd.s32 @!p1 s19  }
.LBB1_1:
0x1e: {  	p1 =	sgt.u32 s13, s6  }
0x1f: {  	s16 =	sshrl.u32 @!p1 s12, $0x3  }
0x20: {  	s17 =	sshll.u32 @!p1 s11, $0x3;
	s16 =	smul.u32 @!p1 $0x7A1400, s16  }
0x21: {  	s18 =	sshll.u32 @!p1 s12, $0x7;
	s17 =	sand.u32 @!p1 $0xFFFFFC00, s17  }
0x22: {  	s16 =	sadd.s32 @!p1 s16, s17;
	s17 =	sand.u32 @!p1 $0x380, s18  }
0x23: {  	s18 =	sand.u32 @!p1 $0x7F, s11;
	s16 =	sor.u32 @!p1 s17, s16  }
0x24: {  	s17 =	sor.u32 @!p1 s18, s16  }
0x25: {  	s18 =	smulhi.u32 @!p1 $0x218D6287, s17;
	_ =	sdelay $0x1  }
0x26: {  	s16 =	smulhi.u32 @!p1 $0x218D6287, s16;
	s18 =	sshrl.u32 @!p1 s18, $0x11  }
0x27: {  	s18 =	smul.u32 @!p1 $0xF4280, s18  }
0x28: {  	s19 =	sxor.u32 @!p1 $0xFFFFFFFF, s13;
	s16 =	sshrl.u32 @!p1 s16, $0x11  }
0x29: {  	s19 =	sshll.u32 @!p1 s19, $0xD;
	s16 =	sand.u32 @!p1 $0x3F, s16;
	s17 =	ssub.s32 @!p1 s17, s18  }
0x2a: {  	s16 =	smul.u32 @!p1 $0x1E850, s16;
	s18 =	sshrl.u32 @!p1 s17, $0x3;
	s17 =	sand.u32 @!p1 $0x7, s17  }
0x2b: {  	s19 =	sand.u32 @!p1 $0x2000, s19;
	s18 =	sadd.s32 @!p1 s2, s18;
	s17 =	sshll.u32 @!p1 s17, $0x12  }
0x2c: {  	s16 =	sadd.s32 @!p1 s16, s18;
	s17 =	sor.u32 @!p1 $0x400, s17;
	s18 =	simm.s32 @!p1 $0x7A1400  }
0x2d: {  	[tilespmem:s19], [sflag:$0x1] =	stream.strided.gather @!p1 [hbm4b:s16+s17], $0x2000, s18, s17, $0x38;
	[tilespmem:$0x8100] =	vst v63  }
0x2e: {  	p1 =	seq.s32 s13, $0x0  }
0x2f: {  	p2 =	sge.u32 @!p1 s13, s7  }
0x30: {  	p1 =	por p1, p2  }
.Ltmp2:
0x31: {  	_ = 	snop;
	(pc) =	sbr.rel @p1 .LBB1_5-.Ltmp2, $1  }
0x32: {  	_ =	sdelay $0x3  }
0x33: {  	s16 =	simm.s32 $0x1  }
0x34: {  	_ =	swait.ge [sflag:s4], $0x2000;
	s16 =	simm.s32 @!p0 $0x0  }
0x35: {  	[sflag:s4] =	ssyncset.done $0x0;
	s17 =	sshll.u32 s16, $0xD  }
0x36: {  	[sflag:s4] =	ssyncadd.s32 $0xFFFFE000;
	s17 =	sor.u32 $0x40, s17  }
0x37: {  	s16 =	smul.u32 $0x8200, s16;
	v0 =	vld [tilespmem:s17+$0x30]  }
0x38: {  	v1 =	vld [tilespmem:s17+$0xFFFFFFD0]  }
0x39: {  	s16 =	sshrl.u32 s16, $0x2;
	v5 =	vld [tilespmem:s17+$0xFFFFFFE0]  }
0x3a: {  	v6 =	vld [tilespmem:s17+$0xFFFFFFF0];
	s19 =	sor.u32 $0x4000, s16  }
0x3b: {  	s31 =	sand.u32 $0x1, s13;
	v4 =	vld [tilespmem:s17+$0x0];
	s18 =	sadd.s32 $0x0, s19  }
0x3c: {  	v3 =	vld [tilespmem:s17+$0x10];
	s16 =	smul.u32 $0x8200, s31;
	[tilespmem:s18+$0x1C70 ss:$0x41] =	vst.msk $0xffff, v0  }
0x3d: {  	v2 =	vld [tilespmem:s17+$0x20];
	[tilespmem:s18+$0x410 ss:$0x41] =	vst.msk $0xffff, v1  }
0x3e: {  	s16 =	sshrl.u32 s16, $0x2;
	v1 =	vld [tilespmem:s17+$0xFFFFFFC0];
	[tilespmem:s18+$0x820 ss:$0x41] =	vst.msk $0xffff, v5;
	s17 =	sadd.s32 $0x80, s17  }
0x3f: {  	s20 =	simm.s32 $0x4;
	s21 =	simm.s32 $0x8;
	s16 =	sor.u32 $0x4000, s16;
	[tilespmem:s18+$0xC30 ss:$0x41] =	vst.msk $0xffff, v6;
	v0 =	vld [tilespmem:s17+$0x30]  }
.LBB1_3:
0x40: {  	p1 =	sne.s32 s21, $0xFC;
	v5 =	vld [tilespmem:s17+$0xFFFFFFD0];
	[tilespmem:s18+$0x1040 ss:$0x41] =	vst.msk $0xffff, v4  }
0x41: {  	v6 =	vld [tilespmem:s17+$0xFFFFFFE0];
	[tilespmem:s18+$0x1450 ss:$0x41] =	vst.msk $0xffff, v3  }
0x42: {  	s22 =	sshra.s32 s20, $0x2;
	s20 =	smov.u32 s21;
	v7 =	vld [tilespmem:s17+$0xFFFFFFF0];
	[tilespmem:s18+$0x1860 ss:$0x41] =	vst.msk $0xffff, v2  }
.Ltmp3:
0x43: {  	v4 =	vld [tilespmem:s17+$0x0];
	[tilespmem:s18+$0x0 ss:$0x41] =	vst.msk $0xffff, v1;
	s18 =	sadd.s32 s22, s19;
	(pc) =	sbr.rel @p1 .LBB1_3-.Ltmp3, $4  }
0x44: {  	v3 =	vld [tilespmem:s17+$0x10];
	[tilespmem:s18+$0x1C70 ss:$0x41] =	vst.msk $0xffff, v0  }
0x45: {  	[tilespmem:s18+$0x410 ss:$0x41] =	vst.msk $0xffff, v5;
	v2 =	vld [tilespmem:s17+$0x20]  }
0x46: {  	v1 =	vld [tilespmem:s17+$0xFFFFFFC0];
	[tilespmem:s18+$0x820 ss:$0x41] =	vst.msk $0xffff, v6;
	s17 =	sadd.s32 $0x80, s17  }
0x47: {  	s21 =	sadd.s32 $0x4, s21;
	v0 =	vld [tilespmem:s17+$0x30];
	[tilespmem:s18+$0xC30 ss:$0x41] =	vst.msk $0xffff, v7  }
0x48: {  	s21 =	sshll.u32 s9, $0x7;
	s22 =	sshll.u32 s10, $0x3;
	s20 =	sshra.s32 s20, $0x2  }
0x49: {  	p1 =	sgt.s32 s9, $0xF41C0;
	s30 =	sshra.s32 s9, $0x1F;
	s25 =	sshra.s32 s10, $0x1F  }
0x4a: {  	v5 =	vld [tilespmem:s17+$0xFFFFFFD0];
	s28 =	sshrl.u32 s10, $0x3;
	s23 =	sand.u32 $0xFFFFFC00, s21;
	s22 =	sand.u32 $0xFFFFFC00, s22  }
0x4b: {  	[tilespmem:s18+$0x1040 ss:$0x41] =	vst.msk $0xffff, v4;
	v58 =	vld [tilespmem:s17+$0xFFFFFFE0];
	s21 =	sand.u32 $0x380, s21;
	s19 =	sadd.s32 s20, s19;
	s22 =	sadd.s32 s22, s23  }
0x4c: {  	v59 =	vld [tilespmem:s17+$0xFFFFFFF0];
	[tilespmem:s18+$0x1450 ss:$0x41] =	vst.msk $0xffff, v3;
	s29 =	sor.u32 s21, s22;
	s21 =	smov.u32 s9;
	s22 =	sand.u32 s30, s9  }
0x4d: {  	v60 =	vld [tilespmem:s17+$0x0];
	[tilespmem:s18+$0x1860 ss:$0x41] =	vst.msk $0xffff, v2;
	s30 =	sand.u32 $0x7, s10;
	s20 =	sshrl.u32 s29, $0x7;
	s21 =	simm.s32 @!p1 $0xF41C0  }
0x4e: {  	v61 =	vld [tilespmem:s17+$0x10];
	[tilespmem:s18+$0x0 ss:$0x41] =	vst.msk $0xffff, v1;
	p1 =	sgt.s32 s10, $0x40;
	s24 =	ssub.s32 s21, s22;
	s21 =	smov.u32 s10  }
0x4f: {  	v62 =	vld [tilespmem:s17+$0x20];
	[tilespmem:s19+$0x1C70 ss:$0x41] =	vst.msk $0xffff, v0;
	s31 =	smulhi.u32 $0x218DEF5, s20;
	s22 =	sand.u32 s25, s10;
	s21 =	simm.s32 @!p1 $0x40  }
0x50: {  	v63 =	vld [tilespmem:s17+$0xFFFFFFC0];
	[tilespmem:s19+$0x410 ss:$0x41] =	vst.msk $0xffff, v5;
	s26 =	sadd.s32 $0xFFF0BE40, s24;
	s17 =	ssub.s32 $0xF4240, s24;
	s21 =	ssub.s32 s21, s22  }
0x51: {  	[tilespmem:s19+$0x820 ss:$0x41] =	vst.msk $0xffff, v58;
	s23 =	sshrl.u32 s31, $0xD;
	p1 =	sgt.s32 s26, $0x7F;
	s27 =	sadd.s32 $0xFFFFFFC0, s21  }
0x52: {  	[tilespmem:s19+$0xC30 ss:$0x41] =	vst.msk $0xffff, v59;
	s23 =	smul.u32 $0xF4240, s23;
	s18 =	ssub.s32 $0x80, s21;
	p2 =	sgt.s32 s27, $0x3F  }
.Ltmp4:
0x53: {  	[tilespmem:s19+$0x1040 ss:$0x41] =	vst.msk $0xffff, v60;
	s17 =	simm.s32 @p1 $0x0;
	s18 =	simm.s32 @p2 $0x0;
	(pc) =	sbr.rel .LBB1_5-.Ltmp4, $4  }
0x54: {  	s29 =	sand.u32 $0xF, s28;
	[tilespmem:s19+$0x1450 ss:$0x41] =	vst.msk $0xffff, v61;
	s20 =	ssub.s32 s20, s23;
	s17 =	smul.u32 s18, s17  }
0x55: {  	[tilespmem:s19+$0x1860 ss:$0x41] =	vst.msk $0xffff, v62;
	s21 =	sshll.u32 s30, $0x12;
	s20 =	sshll.u32 s20, $0x4;
	s18 =	sadd.s32 s5, s29  }
0x56: {  	[tilespmem:s19+$0x0 ss:$0x41] =	vst.msk $0xffff, v63;
	s31 =	sor.u32 $0x40, s21;
	s18 =	sadd.s32 s20, s18;
	s17 =	sand.u32 $0x3FFFFFFF, s17  }
0x57: {  	[hbm4b:s18+s31] =	stream.strided.scatter [tilespmem:s16], [sflag:$0x2], s17, s8, s31, $0x18;
	[tilespmem:$0x8100] =	vst v63  }
.LBB1_6:
0x58: {  	_ =	sfence.sel $0x180000  }
0x59: {  	s2 =	simm.s32 $0x1;
	[bflag:$0x0] =	sbarrier.arrive $0xFFFF  }
0x5a: {  	s31 =	simm.s32 $0x2;
	[sflag:s2] =	ssyncpa.u1 $0x1  }
0x5b: {  	[sflag:s31] =	ssyncpa.u1 $0x1  }
0x5c: {  	p0 =	sne.s32 s1, $0x0;
	_ =	strace $0x90000047  }
0x5d: {  	s0 =	sadd.s32 @!p0 $0x100000, s0;
	[bflag:$0x2] =	sbarrier.arrive $0xFFFF  }
0x5e: {  	[sflag:s0] =	ssyncadd.tile.s32 @!p0 $0x1;
	_ =	shalt  }
.Lfunc_end1:
_tile_overlayer_lowered:
.L_overlay_start_2:
0x5f: {  	(tag) =	ssettag $0x2  }
0x60: {  	s0 =	rddreg [dreg:$0x0];
	s2 =	stileid.u32  }
0x61: {  	s1 =	rddreg [dreg:$0x1];
	p0 =	sne.s32 s2, $0x0  }
0x62: {  	s3 =	rddreg [dreg:$0x2];
	[bflag:$0x3] =	sbarrier.arrive $0xFFFF;
	s2 =	simm.s32 @!p0 $0x1C01  }
0x63: {  	[timem:s3], [sflag:s2] =	dma.local @!p0 [hbm:s0], s1  }
0x64: {  	s0 =	simm.s32 @!p0 $0x1  }
0x65: {  	_ =	swait.ge @!p0 [sflag:s0], s1  }
0x66: {  	s1 =	ssub.s32 @!p0 $0x0, s1;
	[sflag:s0] =	ssyncset.done @!p0 $0x0  }
0x67: {  	[sflag:s0] =	ssyncadd.s32 @!p0 s1  }
0x68: {  	[bflag:$0x3] =	sbarrier.arrive $0xFFFF  }
0x69: {  	_ =	shalt  }

// kernel: sparse-core-data-format-call.cloned.1.call-start
scs
called_computation_lowered:
.L_overlay_start_0:
0x0: {  	s2 =	sld [smem:$0x3FD9]  }
0x1: {  	s3 =	sld [smem:$0x3FFE];
	_ =	sdelay $0x1  }
0x2: {  	s1 =	srdreg.scid  }
0x3: {  	s0 =	sand.u32 $0x1, s1  }
0x4: {  	s18 =	sshll.u32 s0, $0xA;
	s2 =	sadd.s32 s3, s2  }
0x5: {  	s2 =	sadd.s32 s2, s18  }
0x6: {  	[smem:$0x3FC5] =	sst s2  }
0x7: {  	_ = 	snop  }
0x8: {  	s2 =	sld [smem:$0x3FD0];
	(tm) =	ssettm $0x1  }
0x9: {  	s19 =	sld [smem:$0x3FFB];
	_ =	sdelay $0x3  }
0xa: {  	_ =	strace s19  }
0xb: {  	s3 =	sld [smem:$0x3FFC];
	_ =	sdelay $0x3  }
0xc: {  	_ =	strace s3  }
0xd: {  	s3 =	sld [smem:$0x3FFD];
	_ =	sdelay $0x3  }
0xe: {  	_ =	strace s3  }
0xf: {  	_ =	strace $0x8FFFFFFF  }
0x10: {  	s20 =	sld [smem:$0x3FDB];
	_ =	sdelay $0x1  }
0x11: {  	s4 =	simm.s32 $_scs_section_size  }
0x12: {  	s5 =	simm.s32 $_size__tile_overlayer_lowered;
	s6 =	simm.s32 $_tile_overlayer_lowered  }
0x13: {  	s23 =	simm.s32 $0x1BFF;
	s22 =	sshll.u32 s6, $0x1;
	s3 =	sadd.s32 s4, s20  }
0x14: {  	s7 =	simm.s32 $0x0;
	s21 =	sshll.u32 s5, $0x1;
	s5 =	sadd.s32 s22, s3  }
0x15: {  	[timem:s7], [sflag:s23] =	dma.local [hbm:s5], s21  }
0x16: {  	_ =	swait.ge [sflag:s23], s21  }
0x17: {  	s4 =	ssub.s32 $0x0, s21;
	[sflag:s23] =	ssyncset.done $0x0  }
0x18: {  	[sflag:s23] =	ssyncadd.s32 s4;
	_ =	sdelay $0x1  }
0x19: {  	s24 =	simm.s32 $0x1B8B  }
0x1a: {  	_ =	swait.ge [sflag:s24], $0x1  }
0x1b: {  	[sflag:s24] =	ssyncset.done $0x0  }
0x1c: {  	s26 =	simm.s32 $0x1B8E;
	s25 =	sld [smem:$0x3FFE];
	[sflag:s24] =	ssyncadd.s32 $0xFFFFFFFF  }
0x1d: {  	s27 =	simm.s32 $execute0_lowered;
	[smem:$0x3FD2] =	sst s26  }
0x1e: {  	s5 =	sshll.u32 s27, $0x1;
	_ =	strace $0x8000004C;
	[dreg:$0x1] =	wrdreg $0xFFFFFFFF  }
0x1f: {  	s28 =	simm.s32 $_size_execute0_lowered;
	s3 =	sadd.s32 s3, s5;
	[dreg:$0x0] =	wrdreg $0x0  }
0x20: {  	s5 =	sshll.u32 s28, $0x1;
	[dreg:$0x2] =	wrdreg s3  }
0x21: {  	[dreg:$0x3] =	wrdreg s5  }
0x22: {  	[dreg:$0x4] =	wrdreg $0xC0  }
0x23: {  	_ =	task [dreg:s7], $0x5FFFF  }
0x24: {  	[dreg:$0x1] =	wrdreg $0xFFFFFFFF  }
0x25: {  	[dreg:$0x0] =	wrdreg $0x60  }
0x26: {  	[dreg:$0x2] =	wrdreg s25  }
0x27: {  	[dreg:$0x3] =	wrdreg s2  }
0x28: {  	[dreg:$0x4] =	wrdreg $0x9  }
0x29: {  	_ =	task.clear_ibuf [dreg:s7], $0x5FFFF;
	_ =	strace $0x9000004C  }
0x2a: {  	s29 =	simm.s32 $0x9;
	_ =	strace $0x8000004E  }
0x2b: {  	_ =	swait.ge [sflag:s29], $0x1  }
0x2c: {  	[sflag:s29] =	ssyncadd.s32 $0xFFFFFFFF  }
0x2d: {  	_ =	strace $0x9000004E  }
0x2e: {  	_ =	sfence  }
0x2f: {  	s30 =	sld [smem:$0x0];
	_ =	sdelay $0x2  }
0x30: {  	s31 =	sshll.u32 s1, $0xD;
	s1 =	sshrl.u32 s1, $0x2  }
0x31: {  	s3 =	sand.u32 $0x4000, s31;
	s1 =	sadd.s32 s1, s30  }
0x32: {  	s0 =	sor.u32 s3, s0;
	s1 =	sshll.u32 s1, $0x11  }
0x33: {  	s0 =	sor.u32 s1, s0  }
0x34: {  	s0 =	sadd.s32 $0x8F2B, s0  }
0x35: {  	[sflag:s0] =	ssyncadd.remote.s32 $0x1  }
0x36: {  	_ =	sfence.sel $0xFFFF  }
0x37: {  	[dreg:$0x0] =	wrdreg $0xFFFFFFFF;
	(pc) =	sbr.abs _section_cstart, $3  }
0x38: {  	[dreg:$0x1] =	wrdreg $0xFFFFFFFF  }
0x39: {  	_ =	task.clear_ibuf [dreg:s7], $0x2FFFF;
	_ =	strace $0x9FFFFFFF  }
0x3a: {  	(tm) =	ssettm $0x7FFFFFFF  }
0x3b: {  	_ =	shalt  }
tec
execute0_lowered:
.L_overlay_start_1:
0x0: {  	(tag) =	ssettag $0x1  }
0x1: {  	s0 =	srdreg.scid  }
0x2: {  	s1 =	sshll.u32 s0, $0x4  }
0x3: {  	s0 =	stileid.u32;
	s1 =	sand.u32 $0x10, s1  }
0x4: {  	s1 =	sor.u32 s0, s1  }
0x5: {  	s6 =	rddreg [dreg:$0x0];
	s4 =	simm.s32 $0x1;
	s2 =	sshll.u32 s1, $0x7  }
0x6: {  	s7 =	simm.s32 $0x2;
	s12 =	simm.s32 $0x0;
	s1 =	ssub.s32 $0x1000, s2  }
0x7: {  	s8 =	simm.s32 $0x8000;
	s13 =	simm.s32 $0x0;
	s3 =	sand.u32 $0xF80, s1  }
0x8: {  	s9 =	simm.s32 $0x0;
	s5 =	sshrl.u32 s1, $0xC;
	p0 =	sne.s32 s3, $0x0  }
.Ltmp0:
0x9: {  	s1 =	rddreg [dreg:$0x2];
	s4 =	simm.s32 @!p0 $0x0;
	(pc) =	sbr.rel .LBB1_1-.Ltmp0, $4  }
0xa: {  	s11 =	simm.s32 $0x0;
	s3 =	rddreg [dreg:$0x1];
	s5 =	sadd.s32 s4, s5  }
0xb: {  	_ =	strace $0x8000004D;
	s4 =	simm.s32 $0x1;
	s5 =	smul.u32 $0xC8, s5  }
0xc: {  	s6 =	sadd.s32 $0xE00, s6;
	s10 =	smov.u32 s2;
	[sflag:s4] =	ssyncpa.u1 $0x0  }
0xd: {  	p0 =	por $0x0, $0x0;
	[sflag:s7] =	ssyncpa.u1 $0x0;
	s7 =	sor.u32 $0x1, s5  }
.LBB1_4:
0xe: {  	s16 =	sshll.u32 s13, $0x3;
	s17 =	sand.u32 $0x78, s13  }
0xf: {  	s30 =	sand.u32 $0x7E00, s13;
	s12 =	sshll.u32 s12, $0xF;
	s16 =	sand.u32 $0xC00, s16  }
0x10: {  	[tilespmem:s15+$0x810 ss:$0x81] =	vst.msk $0xffff, v2;
	s31 =	sand.u32 $0x7, s13;
	s16 =	sor.u32 s17, s16;
	s17 =	sadd.s32 s3, s30  }
0x11: {  	[tilespmem:s15+$0x1020 ss:$0x81] =	vst.msk $0xffff, v0;
	s13 =	sshll.u32 s31, $0x12;
	s12 =	sadd.s32 s12, s17;
	s16 =	sshrl.u32 s16, $0x3  }
0x12: {  	[tilespmem:s15+$0x0 ss:$0x81] =	vst.msk $0xffff, v1;
	s13 =	sor.u32 $0x400, s13;
	s12 =	sadd.s32 s16, s12  }
0x13: {  	[hbm4b:s12+s13] =	stream.strided.scatter [tilespmem:s14], [sflag:$0x2], $0x2000, s8, s13, $0x20;
	[tilespmem:$0x8080] =	vst v63  }
.LBB1_5:
0x14: {  	s14 =	sadd.s32 $0x1, s9  }
0x15: {  	s12 =	sadd.s32 $0x1000, s10;
	s16 =	smov.u32 s10;
	p2 =	sgt.s32 s14, $0xC7  }
0x16: {  	s16 =	smov.u32 @p2 s12  }
0x17: {  	s14 =	simm.s32 @p2 $0x0;
	p2 =	sgt.s32 s16, $0xFFF  }
0x18: {  	s16 =	smov.u32 @p2 s2;
	p2 =	sne.s32 s11, s7  }
.Ltmp1:
0x19: {  	p1 =	slt.u32 s11, $0x2;
	(pc) =	sbr.rel @!p2 .LBB1_6-.Ltmp1, $4  }
0x1a: {  	s15 =	simm.s32 @!p1 $0x2  }
0x1b: {  	s13 =	smov.u32 s10;
	p0 =	por !p0, !p0;
	_ =	swait.ge @!p1 [sflag:s15], $0x2000  }
0x1c: {  	s12 =	smov.u32 s9;
	[sflag:s15] =	ssyncset.done @!p1 $0x0;
	s9 =	smov.u32 s14  }
0x1d: {  	s11 =	sadd.s32 $0x1, s11;
	[sflag:s15] =	ssyncadd.s32 @!p1 $0xFFFFE000;
	s10 =	smov.u32 s16  }
.LBB1_1:
0x1e: {  	p1 =	sge.u32 s11, s5  }
0x1f: {  	s14 =	sand.u32 @!p1 $0x1FFFFFF, s9  }
0x20: {  	s15 =	smulhi.u32 @!p1 $0x147AE15, s14;
	_ =	sdelay $0x1  }
0x21: {  	s15 =	smul.u32 @!p1 $0xC8, s15  }
0x22: {  	s16 =	sxor.u32 @!p1 $0xFFFFFFFF, s11;
	s17 =	smul.u32 @!p1 $0xC80, s10  }
0x23: {  	s31 =	sadd.s32 $0xFFFFFFFF, s11;
	s16 =	sshll.u32 @!p1 s16, $0xD;
	s14 =	ssub.s32 @!p1 s14, s15  }
0x24: {  	s15 =	sand.u32 @!p1 $0x2000, s16;
	s16 =	sadd.s32 @!p1 s6, s17;
	s14 =	sshll.u32 @!p1 s14, $0x4  }
0x25: {  	s17 =	simm.s32 @!p1 $0x6400;
	s14 =	sadd.s32 @!p1 s14, s16;
	s16 =	simm.s32 @!p1 $0x40  }
0x26: {  	[tilespmem:s15], [sflag:$0x1] =	stream.strided.gather @!p1 [hbm4b:s14+s16], $0x2000, s17, s16, $0x38;
	[tilespmem:$0x8080] =	vst v63  }
0x27: {  	p1 =	sge.u32 s31, s5  }
.Ltmp2:
0x28: {  	_ = 	snop;
	(pc) =	sbr.rel @p1 .LBB1_5-.Ltmp2, $1  }
0x29: {  	_ =	sdelay $0x3  }
0x2a: {  	s14 =	simm.s32 $0x1  }
0x2b: {  	_ =	swait.ge [sflag:s4], $0x2000;
	s14 =	simm.s32 @!p0 $0x0  }
0x2c: {  	[sflag:s4] =	ssyncset.done $0x0;
	s15 =	sshll.u32 s14, $0xD  }
0x2d: {  	[sflag:s4] =	ssyncadd.s32 $0xFFFFE000;
	s18 =	sor.u32 $0x20, s15  }
0x2e: {  	s14 =	smul.u32 $0x8100, s14;
	v3 =	vld [tilespmem:s18+$0x10]  }
0x2f: {  	s30 =	sand.u32 $0x1, s11;
	v2 =	vld [tilespmem:s18+$0xFFFFFFF0]  }
0x30: {  	s15 =	smul.u32 $0x8100, s30;
	s14 =	sshrl.u32 s14, $0x2;
	v0 =	vld [tilespmem:s18+$0x0]  }
0x31: {  	v1 =	vld [tilespmem:s18+$0xFFFFFFE0];
	s16 =	sor.u32 $0x4000, s14  }
0x32: {  	s31 =	sshrl.u32 s15, $0x2;
	s15 =	sadd.s32 $0x0, s16  }
0x33: {  	s17 =	simm.s32 $0x4;
	s18 =	sadd.s32 $0x40, s18;
	s14 =	sor.u32 $0x4000, s31;
	[tilespmem:s15+$0x1830 ss:$0x81] =	vst.msk $0xffff, v3  }
.LBB1_3:
0x34: {  	v3 =	vld [tilespmem:s18+$0x10];
	p1 =	sne.s32 s17, $0x1FC;
	[tilespmem:s15+$0x810 ss:$0x81] =	vst.msk $0xffff, v2;
	s19 =	smov.u32 s17;
	s17 =	sadd.s32 $0x4, s17  }
.Ltmp3:
0x35: {  	v2 =	vld [tilespmem:s18+$0xFFFFFFF0];
	[tilespmem:s15+$0x1020 ss:$0x81] =	vst.msk $0xffff, v0;
	(pc) =	sbr.rel @p1 .LBB1_3-.Ltmp3, $4  }
0x36: {  	v0 =	vld [tilespmem:s18+$0x0];
	[tilespmem:s15+$0x0 ss:$0x81] =	vst.msk $0xffff, v1  }
0x37: {  	s15 =	sshra.s32 s19, $0x2;
	v1 =	vld [tilespmem:s18+$0xFFFFFFE0]  }
0x38: {  	s15 =	sadd.s32 s15, s16  }
0x39: {  	s18 =	sadd.s32 $0x40, s18;
	[tilespmem:s15+$0x1830 ss:$0x81] =	vst.msk $0xffff, v3  }
.Ltmp4:
0x3a: {  	_ = 	snop;
	(pc) =	sbr.rel .LBB1_4-.Ltmp4, $1  }
0x3b: {  	_ =	sdelay $0x3  }
.LBB1_6:
0x3c: {  	_ =	sfence.sel $0x180000  }
0x3d: {  	s2 =	simm.s32 $0x1;
	[bflag:$0x0] =	sbarrier.arrive $0xFFFF  }
0x3e: {  	s31 =	simm.s32 $0x2;
	[sflag:s2] =	ssyncpa.u1 $0x1  }
0x3f: {  	[sflag:s31] =	ssyncpa.u1 $0x1  }
0x40: {  	p0 =	sne.s32 s0, $0x0;
	_ =	strace $0x9000004D  }
0x41: {  	s0 =	sadd.s32 @!p0 $0x100000, s1;
	[bflag:$0x2] =	sbarrier.arrive $0xFFFF  }
0x42: {  	[sflag:s0] =	ssyncadd.tile.s32 @!p0 $0x1;
	_ =	shalt  }
.Lfunc_end1:
_tile_overlayer_lowered:
.L_overlay_start_2:
0x43: {  	(tag) =	ssettag $0x2  }
0x44: {  	s0 =	rddreg [dreg:$0x0];
	s2 =	stileid.u32  }
0x45: {  	s1 =	rddreg [dreg:$0x1];
	p0 =	sne.s32 s2, $0x0  }
0x46: {  	s3 =	rddreg [dreg:$0x2];
	[bflag:$0x3] =	sbarrier.arrive $0xFFFF;
	s2 =	simm.s32 @!p0 $0x1C01  }
0x47: {  	[timem:s3], [sflag:s2] =	dma.local @!p0 [hbm:s0], s1  }
0x48: {  	s0 =	simm.s32 @!p0 $0x1  }
0x49: {  	_ =	swait.ge @!p0 [sflag:s0], s1  }
0x4a: {  	s1 =	ssub.s32 @!p0 $0x0, s1;
	[sflag:s0] =	ssyncset.done @!p0 $0x0  }
0x4b: {  	[sflag:s0] =	ssyncadd.s32 @!p0 s1  }
0x4c: {  	[bflag:$0x3] =	sbarrier.arrive $0xFFFF  }
0x4d: {  	_ =	shalt  }

</sc_bundles>
